<compile_context>
chip_gen: v7x
topology: tpu7x:2x2x1
jax: 0.10.2.dev20260603
libtpu: 0.0.44.dev20260713+nightly
codegen_flags: <defaults>
</compile_context>

<pallas_src>
import dataclasses
import functools

import jax
import jax.numpy as jnp
from jax import lax
from jax.experimental import pallas as pl
from jax.experimental.pallas import tpu as pltpu
from jax.experimental.pallas import tpu_sc as plsc

N = 10000
E = 320000
NC, NS, L = 2, 16, 16
NW = NC * NS
EPW = E // NW
BLK = 100
NBLK = EPW // BLK
NPAD = 10240
ZR = 128
CP0 = 624
CP1 = N - 15 * CP0

_mesh = plsc.VectorSubcoreMesh(core_axis_name="c", subcore_axis_name="s")

_sc_params = pltpu.CompilerParams()
for _f, _v in (("needs_layout_passes", False), ("use_tc_tiling_on_sc", False)):
    if _f in pltpu.CompilerParams.__dataclass_fields__:
        _sc_params = dataclasses.replace(_sc_params, **{_f: _v})


@functools.partial(
    pl.kernel, mesh=_mesh, compiler_params=_sc_params,
    out_type=jax.ShapeDtypeStruct((NW, NPAD), jnp.float32),
    scratch_types=[
        pltpu.VMEM((EPW // L, L), jnp.int32),
        pltpu.VMEM((NPAD,), jnp.float32),
        pltpu.SemaphoreType.DMA,
    ],
)
def _deg_kernel(dst_hbm, out_hbm, dst_v, hist, sem):
    wid = lax.axis_index("s") * NC + lax.axis_index("c")
    pltpu.async_copy(dst_hbm.at[wid], dst_v, sem).wait()

    zero16 = jnp.zeros((L,), jnp.float32)

    @pl.loop(0, NPAD // L)
    def _(i):
        hist[pl.ds(i * L, L)] = zero16

    ones16 = jnp.ones((L,), jnp.float32)

    @pl.loop(0, EPW // L)
    def _(j):
        plsc.addupdate_scatter(hist, [dst_v[j, :]], ones16)

    pltpu.async_copy(hist, out_hbm.at[wid], sem).wait()


def _make_agg(F):
    @functools.partial(
        pl.kernel, mesh=_mesh, compiler_params=_sc_params,
        out_type=jax.ShapeDtypeStruct((NC, N, F), jnp.float32),
        scratch_types=[
            pltpu.VMEM((NBLK, BLK), jnp.int32),
            pltpu.VMEM((NBLK, BLK), jnp.int32),
            pltpu.VMEM((BLK, F), jnp.float32),
            pltpu.VMEM((BLK, F), jnp.float32),
            pltpu.VMEM((ZR, F), jnp.float32),
            pltpu.VMEM_SHARED((NPAD, F), jnp.float32),
            pltpu.SemaphoreType.DMA,
            pltpu.SemaphoreType.DMA,
            pltpu.SemaphoreType.DMA,
        ],
    )
    def agg(table_hbm, src_hbm, dst_hbm, out_hbm, src_v, dst_v, bufa, bufb,
            zbuf, acc, sema, semb, semi):
        c = lax.axis_index("c")
        s = lax.axis_index("s")
        wid = s * NC + c
        cpi = pltpu.async_copy(src_hbm.at[wid], src_v, semi)
        pltpu.async_copy(dst_hbm.at[wid], dst_v, semi)

        zero16 = jnp.zeros((L,), jnp.float32)

        @pl.loop(0, ZR)
        def _(r):
            @pl.loop(0, F // L)
            def _(k):
                zbuf[r, pl.ds(k * L, L)] = zero16

        @pl.loop(0, NPAD // NS // ZR)
        def _(t):
            pltpu.sync_copy(zbuf, acc.at[pl.ds(s * (NPAD // NS) + t * ZR, ZR)])

        cpi.wait()
        pltpu.make_async_copy(dst_hbm.at[wid], dst_v, semi).wait()
        plsc.subcore_barrier()

        pltpu.async_copy(table_hbm.at[src_v.at[0]], bufa, sema)

        @pl.loop(0, NBLK // 2)
        def _(j):
            b = 2 * j
            pltpu.async_copy(table_hbm.at[src_v.at[b + 1]], bufb, semb)
            pltpu.make_async_copy(table_hbm.at[src_v.at[b]], bufa, sema).wait()
            pltpu.sync_copy(bufa, acc.at[dst_v.at[b]], add=True)

            @pl.when(j < NBLK // 2 - 1)
            def _():
                pltpu.async_copy(table_hbm.at[src_v.at[b + 2]], bufa, sema)

            pltpu.make_async_copy(table_hbm.at[src_v.at[b + 1]], bufb,
                                  semb).wait()
            pltpu.sync_copy(bufb, acc.at[dst_v.at[b + 1]], add=True)

        plsc.subcore_barrier()

        @pl.when(s < NS - 1)
        def _():
            pltpu.async_copy(acc.at[pl.ds(s * CP0, CP0)],
                             out_hbm.at[c, pl.ds(s * CP0, CP0)], sema).wait()

        @pl.when(s == NS - 1)
        def _():
            pltpu.async_copy(acc.at[pl.ds(15 * CP0, CP1)],
                             out_hbm.at[c, pl.ds(15 * CP0, CP1)], sema).wait()

    return agg


_agg64 = _make_agg(64)
_agg32 = _make_agg(32)


def _mm_body(x_ref, w_ref, o_ref):
    o_ref[...] = jnp.dot(x_ref[...], w_ref[...],
                         preferred_element_type=jnp.float32)


def _mm_xw(x, W):
    k, f = W.shape
    return pl.pallas_call(
        _mm_body,
        grid=(5,),
        in_specs=[pl.BlockSpec((2000, k), lambda i: (i, 0)),
                  pl.BlockSpec((k, f), lambda i: (0, 0))],
        out_specs=pl.BlockSpec((2000, f), lambda i: (i, 0)),
        out_shape=jax.ShapeDtypeStruct((N, f), jnp.float32),
    )(x, W)


def _dinv_body(p_ref, o_ref):
    s = jnp.sum(p_ref[...], axis=0, keepdims=True) + 1.0
    o_ref[...] = lax.rsqrt(s)


def _dinv_row(parts):
    return pl.pallas_call(
        _dinv_body,
        in_specs=[pl.BlockSpec((NW, NPAD), lambda: (0, 0))],
        out_specs=pl.BlockSpec((1, NPAD), lambda: (0, 0)),
        out_shape=jax.ShapeDtypeStruct((1, NPAD), jnp.float32),
    )(parts)


def _scale_body(a_ref, d_ref, o_ref):
    o_ref[...] = a_ref[...] * d_ref[...]


def _scale_rows(a, dcol):
    f = a.shape[1]
    return pl.pallas_call(
        _scale_body,
        grid=(5,),
        in_specs=[pl.BlockSpec((2000, f), lambda i: (i, 0)),
                  pl.BlockSpec((2000, 1), lambda i: (i, 0))],
        out_specs=pl.BlockSpec((2000, f), lambda i: (i, 0)),
        out_shape=jax.ShapeDtypeStruct((N, f), jnp.float32),
    )(a, dcol)


def _mid_body(p_ref, xs_ref, d_ref, b1_ref, w2_ref, o_ref):
    e = p_ref[0] + p_ref[1] + xs_ref[...]
    h = jnp.maximum(d_ref[...] * e + b1_ref[...], 0.0)
    o_ref[...] = d_ref[...] * jnp.dot(h, w2_ref[...],
                                      preferred_element_type=jnp.float32)


def _mid(p, xs1, dcol, b1, W2):
    return pl.pallas_call(
        _mid_body,
        grid=(5,),
        in_specs=[pl.BlockSpec((NC, 2000, 64), lambda i: (0, i, 0)),
                  pl.BlockSpec((2000, 64), lambda i: (i, 0)),
                  pl.BlockSpec((2000, 1), lambda i: (i, 0)),
                  pl.BlockSpec((1, 64), lambda i: (0, 0)),
                  pl.BlockSpec((64, 32), lambda i: (0, 0))],
        out_specs=pl.BlockSpec((2000, 32), lambda i: (i, 0)),
        out_shape=jax.ShapeDtypeStruct((N, 32), jnp.float32),
    )(p, xs1, dcol, b1, W2)


def _dec_body(q_ref, hs_ref, d_ref, b2_ref, wf1_ref, bf1_ref, wf2_ref,
              bf2_ref, o_ref):
    z = d_ref[...] * (q_ref[0] + q_ref[1] + hs_ref[...]) + b2_ref[...]
    dd = jnp.maximum(jnp.dot(z, wf1_ref[...],
                             preferred_element_type=jnp.float32)
                     + bf1_ref[...], 0.0)
    o_ref[...] = jnp.maximum(jnp.dot(dd, wf2_ref[...],
                                     preferred_element_type=jnp.float32)
                             + bf2_ref[...], 0.0)


def _decode(q, hs, dcol, b2, Wf1, bf1, Wf2, bf2):
    return pl.pallas_call(
        _dec_body,
        grid=(5,),
        in_specs=[pl.BlockSpec((NC, 2000, 32), lambda i: (0, i, 0)),
                  pl.BlockSpec((2000, 32), lambda i: (i, 0)),
                  pl.BlockSpec((2000, 1), lambda i: (i, 0)),
                  pl.BlockSpec((1, 32), lambda i: (0, 0)),
                  pl.BlockSpec((32, 64), lambda i: (0, 0)),
                  pl.BlockSpec((1, 64), lambda i: (0, 0)),
                  pl.BlockSpec((64, 128), lambda i: (0, 0)),
                  pl.BlockSpec((1, 128), lambda i: (0, 0))],
        out_specs=pl.BlockSpec((2000, 128), lambda i: (i, 0)),
        out_shape=jax.ShapeDtypeStruct((N, 128), jnp.float32),
    )(q, hs, dcol, b2, Wf1, bf1, Wf2, bf2)


def kernel(x, edge_index, W1, b1, W2, b2, Wf1, bf1, Wf2, bf2):
    ei = edge_index.astype(jnp.int32)
    src3 = ei[0].reshape(NW, NBLK, BLK)
    dst3 = ei[1].reshape(NW, NBLK, BLK)
    dst_deg = ei[1].reshape(NW, EPW // L, L)

    deg_parts = _deg_kernel(dst_deg)
    xw1 = _mm_xw(x, W1)

    dinv = _dinv_row(deg_parts)
    dcol = dinv[0, :N].reshape(N, 1)

    xs1 = _scale_rows(xw1, dcol)
    p = _agg64(xs1, src3, dst3)
    hs = _mid(p, xs1, dcol, b1.reshape(1, 64), W2)
    q = _agg32(hs, src3, dst3)
    return _decode(q, hs, dcol, b2.reshape(1, 32), Wf1, bf1.reshape(1, 64),
                   Wf2, bf2.reshape(1, 128))

# --- scband reference (transcript-rebuilt; emitter-appended) ---
"""Pipeline reference for scband-autoencoder-38070590112103 (READ-ONLY COPY).

The authoritative reference and input builder live on the scoring server;
editing this copy changes nothing except your own understanding.
"""

import jax, jax.numpy as jnp
import numpy as np

N_NODES = 10000
N_EDGES = 320000
IN_CH = 128
Z_DIM = 32


def setup_inputs(seed: int = 0) -> dict:
    key = jax.random.key(seed)
    ks = jax.random.split(key, 12)
    x = jax.random.normal(ks[0], (N_NODES, IN_CH), dtype=jnp.float32)
    edge_index = jax.random.randint(ks[1], (2, N_EDGES), 0, N_NODES, dtype=jnp.int64)
    # GCNConv 1: in_channels -> 2*z_dim
    W1 = jax.random.normal(ks[2], (IN_CH, 2 * Z_DIM), dtype=jnp.float32) * (1.0 / np.sqrt(IN_CH))
    b1 = jnp.zeros((2 * Z_DIM,), dtype=jnp.float32)
    # GCNConv 2: 2*z_dim -> z_dim
    W2 = jax.random.normal(ks[3], (2 * Z_DIM, Z_DIM), dtype=jnp.float32) * (1.0 / np.sqrt(2 * Z_DIM))
    b2 = jnp.zeros((Z_DIM,), dtype=jnp.float32)
    # fc1: z_dim -> 2*z_dim
    Wf1 = jax.random.normal(ks[4], (Z_DIM, 2 * Z_DIM), dtype=jnp.float32) * (1.0 / np.sqrt(Z_DIM))
    bf1 = jax.random.normal(ks[5], (2 * Z_DIM,), dtype=jnp.float32) * 0.01
    # fc2: 2*z_dim -> in_channels
    Wf2 = jax.random.normal(ks[6], (2 * Z_DIM, IN_CH), dtype=jnp.float32) * (1.0 / np.sqrt(2 * Z_DIM))
    bf2 = jax.random.normal(ks[7], (IN_CH,), dtype=jnp.float32) * 0.01
    return {"x": x, "edge_index": edge_index, "W1": W1, "b1": b1, "W2": W2, "b2": b2,
            "Wf1": Wf1, "bf1": bf1, "Wf2": Wf2, "bf2": bf2}


def _gcn_conv(x, edge_index, W, b, n_nodes):
    # PyG GCNConv: add self-loops, symmetric normalization D^-1/2 A D^-1/2, linear, scatter-add, bias
    src = edge_index[0]
    dst = edge_index[1]
    loop = jnp.arange(n_nodes, dtype=src.dtype)
    src = jnp.concatenate([src, loop])
    dst = jnp.concatenate([dst, loop])
    deg = jnp.zeros((n_nodes,), dtype=x.dtype).at[dst].add(1.0)
    deg_inv_sqrt = jnp.where(deg > 0, deg ** -0.5, 0.0)
    norm = deg_inv_sqrt[src] * deg_inv_sqrt[dst]
    xw = x @ W
    msgs = xw[src] * norm[:, None]
    out = jnp.zeros((n_nodes, W.shape[1]), dtype=x.dtype).at[dst].add(msgs)
    return out + b


def reference(x, edge_index, W1, b1, W2, b2, Wf1, bf1, Wf2, bf2):
    n = x.shape[0]
    # encode
    h = _gcn_conv(x, edge_index, W1, b1, n)
    h = jax.nn.relu(h)
    z = _gcn_conv(h, edge_index, W2, b2, n)
    # decode
    d = jax.nn.relu(z @ Wf1 + bf1)
    out = jax.nn.relu(d @ Wf2 + bf2)
    return out

if __name__ == "__main__":
    import jax
    _d = setup_inputs()
    print(jax.jit(kernel)(*tuple(_d.values())))

</pallas_src>

<mosaic_0001>
#map = affine_map<(d0, d1) -> (0, 0, 0)>
#map1 = affine_map<(d0, d1) -> (0, 0)>
module attributes {stable_mosaic.version = 14 : i64} {
  func.func @_deg_kernel(%arg0: i32, %arg1: i32, %arg2: memref<32x625x16xi32, #tpu.memory_space<hbm>>, %arg3: memref<32x10240xf32, #tpu.memory_space<hbm>>, %arg4: memref<625x16xi32, #tpu.memory_space<vmem>>, %arg5: memref<10240xf32, #tpu.memory_space<vmem>>, %arg6: memref<!tpu.dma_semaphore, #tpu.memory_space<semaphore_mem>>) attributes {dimension_semantics = [#tpu.dimension_semantics<core_parallel>, #tpu.dimension_semantics<subcore_parallel>], iteration_bounds = array<i64: 2, 16>, scalar_prefetch = 0 : i64, scratch_operands = 3 : i64, tpu.core_type = #tpu.core_type<sc_vector_subcore>, window_params = [{transform_indices = #map}, {transform_indices = #map1}]} {
    %mul3A = arith.constant 2 : i32
    %mul3A_0 = arith.muli %arg1, %mul3A : i32
    %add3A = arith.addi %mul3A_0, %arg0 : i32
    %dma_start3A = arith.constant 0 : i32
    %dma_start3A_1 = arith.constant 0 : i32
    %dma_start3A_2 = tpu.memref_slice %arg2[%add3A, %dma_start3A, %dma_start3A_1] : memref<32x625x16xi32, #tpu.memory_space<hbm>> -> memref<1x625x16xi32, #tpu.memory_space<hbm>>
    %dma_start3A_3 = tpu.memref_squeeze %dma_start3A_2 : memref<1x625x16xi32, #tpu.memory_space<hbm>> -> memref<625x16xi32, #tpu.memory_space<hbm>>
    %dma_start3A_4 = arith.constant 0 : i32
    %dma_start3A_5 = arith.constant 0 : i32
    %dma_start3A_6 = tpu.memref_slice %arg2[%add3A, %dma_start3A_4, %dma_start3A_5] : memref<32x625x16xi32, #tpu.memory_space<hbm>> -> memref<1x625x16xi32, #tpu.memory_space<hbm>>
    %dma_start3A_7 = tpu.memref_squeeze %dma_start3A_6 : memref<1x625x16xi32, #tpu.memory_space<hbm>> -> memref<625x16xi32, #tpu.memory_space<hbm>>
    tpu.enqueue_dma source(%dma_start3A_7 : memref<625x16xi32, #tpu.memory_space<hbm>>) target(%arg4 : memref<625x16xi32, #tpu.memory_space<vmem>>) target_semaphore(%arg6 : memref<!tpu.dma_semaphore, #tpu.memory_space<semaphore_mem>>)
    %dma_wait3A = arith.constant 0 : i32
    %dma_wait3A_8 = arith.constant 0 : i32
    %dma_wait3A_9 = tpu.memref_slice %arg2[%add3A, %dma_wait3A, %dma_wait3A_8] : memref<32x625x16xi32, #tpu.memory_space<hbm>> -> memref<1x625x16xi32, #tpu.memory_space<hbm>>
    %dma_wait3A_10 = tpu.memref_squeeze %dma_wait3A_9 : memref<1x625x16xi32, #tpu.memory_space<hbm>> -> memref<625x16xi32, #tpu.memory_space<hbm>>
    %dma_wait3A_11 = arith.constant 0 : i32
    %dma_wait3A_12 = arith.constant 0 : i32
    %dma_wait3A_13 = tpu.memref_slice %arg2[%add3A, %dma_wait3A_11, %dma_wait3A_12] : memref<32x625x16xi32, #tpu.memory_space<hbm>> -> memref<1x625x16xi32, #tpu.memory_space<hbm>>
    %dma_wait3A_14 = tpu.memref_squeeze %dma_wait3A_13 : memref<1x625x16xi32, #tpu.memory_space<hbm>> -> memref<625x16xi32, #tpu.memory_space<hbm>>
    tpu.wait_dma2 semaphore(%arg6 : memref<!tpu.dma_semaphore, #tpu.memory_space<semaphore_mem>>) src(%dma_wait3A_14 : memref<625x16xi32, #tpu.memory_space<hbm>>) dst(%arg4 : memref<625x16xi32, #tpu.memory_space<vmem>>)
    %broadcast_in_dim3A = arith.constant 0.000000e+00 : f32
    %broadcast_in_dim3A_15 = vector.broadcast %broadcast_in_dim3A : f32 to vector<16xf32>
    %scan3A = arith.constant 0 : i32
    %scan3A_16 = arith.constant 640 : i32
    %scan3A_17 = arith.addi %scan3A, %scan3A_16 : i32
    %scan3A_18 = arith.constant 1 : i32
    scf.for %scan3A_39 = %scan3A to %scan3A_17 step %scan3A_18  : i32 {
      %mul3A_40 = arith.constant 1 : i32
      %mul3A_41 = arith.muli %scan3A_39, %mul3A_40 : i32
      %add3A_42 = arith.constant 0 : i32
      %add3A_43 = arith.addi %add3A_42, %mul3A_41 : i32
      %mul3A_44 = arith.constant 16 : i32
      %mul3A_45 = arith.muli %add3A_43, %mul3A_44 : i32
      %swap3A = arith.index_cast %mul3A_45 : i32 to index
      %swap3A_46 = tpu.vector_load %arg5[%swap3A] {strides = array<i32>} : memref<10240xf32, #tpu.memory_space<vmem>>, vector<16xf32>,
      tpu.vector_store %arg5[%swap3A], %broadcast_in_dim3A_15 {strides = array<i32>} : memref<10240xf32, #tpu.memory_space<vmem>>, vector<16xf32>,
    }
    %scan3A_19 = arith.constant 640 : i32
    %broadcast_in_dim3A_20 = arith.constant 1.000000e+00 : f32
    %broadcast_in_dim3A_21 = vector.broadcast %broadcast_in_dim3A_20 : f32 to vector<16xf32>
    %scan3A_22 = arith.constant 0 : i32
    %scan3A_23 = arith.constant 625 : i32
    %scan3A_24 = arith.addi %scan3A_22, %scan3A_23 : i32
    %scan3A_25 = arith.constant 1 : i32
    scf.for %scan3A_39 = %scan3A_22 to %scan3A_24 step %scan3A_25  : i32 {
      %mul3A_40 = arith.constant 1 : i32
      %mul3A_41 = arith.muli %scan3A_39, %mul3A_40 : i32
      %add3A_42 = arith.constant 0 : i32
      %add3A_43 = arith.addi %add3A_42, %mul3A_41 : i32
      %get3A = arith.index_cast %add3A_43 : i32 to index
      %get3A_44 = arith.constant 0 : index
      %get3A_45 = tpu.vector_load %arg4[%get3A, %get3A_44] {strides = array<i32>} : memref<625x16xi32, #tpu.memory_space<vmem>>, vector<16xi32>,
      tpu.vector_store_idx %arg5[%get3A_45], %broadcast_in_dim3A_21 {add = true} : memref<10240xf32, #tpu.memory_space<vmem>>[vector<16xi32>], vector<16xf32>,
    }
    %scan3A_26 = arith.constant 625 : i32
    %dma_start3A_27 = arith.constant 0 : i32
    %dma_start3A_28 = tpu.memref_slice %arg3[%add3A, %dma_start3A_27] : memref<32x10240xf32, #tpu.memory_space<hbm>> -> memref<1x10240xf32, #tpu.memory_space<hbm>>
    %dma_start3A_29 = tpu.memref_squeeze %dma_start3A_28 : memref<1x10240xf32, #tpu.memory_space<hbm>> -> memref<10240xf32, #tpu.memory_space<hbm>>
    %dma_start3A_30 = arith.constant 0 : i32
    %dma_start3A_31 = tpu.memref_slice %arg3[%add3A, %dma_start3A_30] : memref<32x10240xf32, #tpu.memory_space<hbm>> -> memref<1x10240xf32, #tpu.memory_space<hbm>>
    %dma_start3A_32 = tpu.memref_squeeze %dma_start3A_31 : memref<1x10240xf32, #tpu.memory_space<hbm>> -> memref<10240xf32, #tpu.memory_space<hbm>>
    tpu.enqueue_dma source(%arg5 : memref<10240xf32, #tpu.memory_space<vmem>>) target(%dma_start3A_32 : memref<10240xf32, #tpu.memory_space<hbm>>) target_semaphore(%arg6 : memref<!tpu.dma_semaphore, #tpu.memory_space<semaphore_mem>>)
    %dma_wait3A_33 = arith.constant 0 : i32
    %dma_wait3A_34 = tpu.memref_slice %arg3[%add3A, %dma_wait3A_33] : memref<32x10240xf32, #tpu.memory_space<hbm>> -> memref<1x10240xf32, #tpu.memory_space<hbm>>
    %dma_wait3A_35 = tpu.memref_squeeze %dma_wait3A_34 : memref<1x10240xf32, #tpu.memory_space<hbm>> -> memref<10240xf32, #tpu.memory_space<hbm>>
    %dma_wait3A_36 = arith.constant 0 : i32
    %dma_wait3A_37 = tpu.memref_slice %arg3[%add3A, %dma_wait3A_36] : memref<32x10240xf32, #tpu.memory_space<hbm>> -> memref<1x10240xf32, #tpu.memory_space<hbm>>
    %dma_wait3A_38 = tpu.memref_squeeze %dma_wait3A_37 : memref<1x10240xf32, #tpu.memory_space<hbm>> -> memref<10240xf32, #tpu.memory_space<hbm>>
    tpu.wait_dma2 semaphore(%arg6 : memref<!tpu.dma_semaphore, #tpu.memory_space<semaphore_mem>>) src(%arg5 : memref<10240xf32, #tpu.memory_space<vmem>>) dst(%dma_wait3A_38 : memref<10240xf32, #tpu.memory_space<hbm>>)
    return
  }
}

#map = affine_map<(d0, d1) -> (0, 0)>
#map1 = affine_map<(d0, d1) -> (0, 0, 0)>
module attributes {stable_mosaic.version = 14 : i64} {
  func.func @agg(%arg0: i32, %arg1: i32, %arg2: memref<10000x32xf32, #tpu.memory_space<hbm>>, %arg3: memref<32x100x100xi32, #tpu.memory_space<hbm>>, %arg4: memref<32x100x100xi32, #tpu.memory_space<hbm>>, %arg5: memref<2x10000x32xf32, #tpu.memory_space<hbm>>, %arg6: memref<100x100xi32, #tpu.memory_space<vmem>>, %arg7: memref<100x100xi32, #tpu.memory_space<vmem>>, %arg8: memref<100x32xf32, #tpu.memory_space<vmem>>, %arg9: memref<100x32xf32, #tpu.memory_space<vmem>>, %arg10: memref<128x32xf32, #tpu.memory_space<vmem>>, %arg11: memref<10240x32xf32, #tpu.memory_space<vmem_shared>>, %arg12: memref<!tpu.dma_semaphore, #tpu.memory_space<semaphore_mem>>, %arg13: memref<!tpu.dma_semaphore, #tpu.memory_space<semaphore_mem>>, %arg14: memref<!tpu.dma_semaphore, #tpu.memory_space<semaphore_mem>>) attributes {dimension_semantics = [#tpu.dimension_semantics<core_parallel>, #tpu.dimension_semantics<subcore_parallel>], iteration_bounds = array<i64: 2, 16>, scalar_prefetch = 0 : i64, scratch_operands = 9 : i64, tpu.core_type = #tpu.core_type<sc_vector_subcore>, window_params = [{transform_indices = #map}, {transform_indices = #map1}, {transform_indices = #map1}, {transform_indices = #map1}]} {
    %mul3A = arith.constant 2 : i32
    %mul3A_0 = arith.muli %arg1, %mul3A : i32
    %add3A = arith.addi %mul3A_0, %arg0 : i32
    %dma_start3A = arith.constant 0 : i32
    %dma_start3A_1 = arith.constant 0 : i32
    %dma_start3A_2 = tpu.memref_slice %arg3[%add3A, %dma_start3A, %dma_start3A_1] : memref<32x100x100xi32, #tpu.memory_space<hbm>> -> memref<1x100x100xi32, #tpu.memory_space<hbm>>
    %dma_start3A_3 = tpu.memref_squeeze %dma_start3A_2 : memref<1x100x100xi32, #tpu.memory_space<hbm>> -> memref<100x100xi32, #tpu.memory_space<hbm>>
    %dma_start3A_4 = arith.constant 0 : i32
    %dma_start3A_5 = arith.constant 0 : i32
    %dma_start3A_6 = tpu.memref_slice %arg3[%add3A, %dma_start3A_4, %dma_start3A_5] : memref<32x100x100xi32, #tpu.memory_space<hbm>> -> memref<1x100x100xi32, #tpu.memory_space<hbm>>
    %dma_start3A_7 = tpu.memref_squeeze %dma_start3A_6 : memref<1x100x100xi32, #tpu.memory_space<hbm>> -> memref<100x100xi32, #tpu.memory_space<hbm>>
    tpu.enqueue_dma source(%dma_start3A_7 : memref<100x100xi32, #tpu.memory_space<hbm>>) target(%arg6 : memref<100x100xi32, #tpu.memory_space<vmem>>) target_semaphore(%arg14 : memref<!tpu.dma_semaphore, #tpu.memory_space<semaphore_mem>>)
    %dma_start3A_8 = arith.constant 0 : i32
    %dma_start3A_9 = arith.constant 0 : i32
    %dma_start3A_10 = tpu.memref_slice %arg4[%add3A, %dma_start3A_8, %dma_start3A_9] : memref<32x100x100xi32, #tpu.memory_space<hbm>> -> memref<1x100x100xi32, #tpu.memory_space<hbm>>
    %dma_start3A_11 = tpu.memref_squeeze %dma_start3A_10 : memref<1x100x100xi32, #tpu.memory_space<hbm>> -> memref<100x100xi32, #tpu.memory_space<hbm>>
    %dma_start3A_12 = arith.constant 0 : i32
    %dma_start3A_13 = arith.constant 0 : i32
    %dma_start3A_14 = tpu.memref_slice %arg4[%add3A, %dma_start3A_12, %dma_start3A_13] : memref<32x100x100xi32, #tpu.memory_space<hbm>> -> memref<1x100x100xi32, #tpu.memory_space<hbm>>
    %dma_start3A_15 = tpu.memref_squeeze %dma_start3A_14 : memref<1x100x100xi32, #tpu.memory_space<hbm>> -> memref<100x100xi32, #tpu.memory_space<hbm>>
    tpu.enqueue_dma source(%dma_start3A_15 : memref<100x100xi32, #tpu.memory_space<hbm>>) target(%arg7 : memref<100x100xi32, #tpu.memory_space<vmem>>) target_semaphore(%arg14 : memref<!tpu.dma_semaphore, #tpu.memory_space<semaphore_mem>>)
    %broadcast_in_dim3A = arith.constant 0.000000e+00 : f32
    %broadcast_in_dim3A_16 = vector.broadcast %broadcast_in_dim3A : f32 to vector<16xf32>
    %scan3A = arith.constant 0 : i32
    %scan3A_17 = arith.constant 128 : i32
    %scan3A_18 = arith.addi %scan3A, %scan3A_17 : i32
    %scan3A_19 = arith.constant 1 : i32
    scf.for %scan3A_60 = %scan3A to %scan3A_18 step %scan3A_19  : i32 {
      %mul3A_61 = arith.constant 1 : i32
      %mul3A_62 = arith.muli %scan3A_60, %mul3A_61 : i32
      %add3A_63 = arith.constant 0 : i32
      %add3A_64 = arith.addi %add3A_63, %mul3A_62 : i32
      %scan3A_65 = arith.constant 0 : i32
      %scan3A_66 = arith.constant 2 : i32
      %scan3A_67 = arith.addi %scan3A_65, %scan3A_66 : i32
      %scan3A_68 = arith.constant 1 : i32
      scf.for %scan3A_70 = %scan3A_65 to %scan3A_67 step %scan3A_68  : i32 {
        %mul3A_71 = arith.constant 1 : i32
        %mul3A_72 = arith.muli %scan3A_70, %mul3A_71 : i32
        %add3A_73 = arith.constant 0 : i32
        %add3A_74 = arith.addi %add3A_73, %mul3A_72 : i32
        %mul3A_75 = arith.constant 16 : i32
        %mul3A_76 = arith.muli %add3A_74, %mul3A_75 : i32
        %swap3A = arith.index_cast %add3A_64 : i32 to index
        %swap3A_77 = arith.index_cast %mul3A_76 : i32 to index
        %swap3A_78 = tpu.vector_load %arg10[%swap3A, %swap3A_77] {strides = array<i32>} : memref<128x32xf32, #tpu.memory_space<vmem>>, vector<16xf32>,
        tpu.vector_store %arg10[%swap3A, %swap3A_77], %broadcast_in_dim3A_16 {strides = array<i32>} : memref<128x32xf32, #tpu.memory_space<vmem>>, vector<16xf32>,
      }
      %scan3A_69 = arith.constant 2 : i32
    }
    %scan3A_20 = arith.constant 128 : i32
    %scan3A_21 = arith.constant 0 : i32
    %scan3A_22 = arith.constant 5 : i32
    %scan3A_23 = arith.addi %scan3A_21, %scan3A_22 : i32
    %scan3A_24 = arith.constant 1 : i32
    scf.for %scan3A_60 = %scan3A_21 to %scan3A_23 step %scan3A_24  : i32 {
      %mul3A_61 = arith.constant 1 : i32
      %mul3A_62 = arith.muli %scan3A_60, %mul3A_61 : i32
      %add3A_63 = arith.constant 0 : i32
      %add3A_64 = arith.addi %add3A_63, %mul3A_62 : i32
      %mul3A_65 = arith.constant 640 : i32
      %mul3A_66 = arith.muli %arg1, %mul3A_65 : i32
      %mul3A_67 = arith.constant 128 : i32
      %mul3A_68 = arith.muli %add3A_64, %mul3A_67 : i32
      %add3A_69 = arith.addi %mul3A_66, %mul3A_68 : i32
      "tpu.region"() ({
        %run_scoped3A = tpu.sem_alloc : memref<!tpu.dma_semaphore, #tpu.memory_space<semaphore_mem>>
        %dma_start3A_70 = arith.constant 0 : i32
        %dma_start3A_71 = tpu.memref_slice %arg11[%add3A_69, %dma_start3A_70] : memref<10240x32xf32, #tpu.memory_space<vmem_shared>> -> memref<128x32xf32, #tpu.memory_space<vmem_shared>>
        %dma_start3A_72 = arith.constant 0 : i32
        %dma_start3A_73 = tpu.memref_slice %arg11[%add3A_69, %dma_start3A_72] : memref<10240x32xf32, #tpu.memory_space<vmem_shared>> -> memref<128x32xf32, #tpu.memory_space<vmem_shared>>
        tpu.enqueue_dma source(%arg10 : memref<128x32xf32, #tpu.memory_space<vmem>>) target(%dma_start3A_73 : memref<128x32xf32, #tpu.memory_space<vmem_shared>>) target_semaphore(%run_scoped3A : memref<!tpu.dma_semaphore, #tpu.memory_space<semaphore_mem>>)
        %dma_wait3A_74 = arith.constant 0 : i32
        %dma_wait3A_75 = tpu.memref_slice %arg11[%add3A_69, %dma_wait3A_74] : memref<10240x32xf32, #tpu.memory_space<vmem_shared>> -> memref<128x32xf32, #tpu.memory_space<vmem_shared>>
        %dma_wait3A_76 = arith.constant 0 : i32
        %dma_wait3A_77 = tpu.memref_slice %arg11[%add3A_69, %dma_wait3A_76] : memref<10240x32xf32, #tpu.memory_space<vmem_shared>> -> memref<128x32xf32, #tpu.memory_space<vmem_shared>>
        tpu.wait_dma2 semaphore(%run_scoped3A : memref<!tpu.dma_semaphore, #tpu.memory_space<semaphore_mem>>) src(%arg10 : memref<128x32xf32, #tpu.memory_space<vmem>>) dst(%dma_wait3A_77 : memref<128x32xf32, #tpu.memory_space<vmem_shared>>)
        tpu.yield
      }) : () -> ()
    }
    %scan3A_25 = arith.constant 5 : i32
    %dma_wait3A = arith.constant 0 : i32
    %dma_wait3A_26 = arith.constant 0 : i32
    %dma_wait3A_27 = tpu.memref_slice %arg3[%add3A, %dma_wait3A, %dma_wait3A_26] : memref<32x100x100xi32, #tpu.memory_space<hbm>> -> memref<1x100x100xi32, #tpu.memory_space<hbm>>
    %dma_wait3A_28 = tpu.memref_squeeze %dma_wait3A_27 : memref<1x100x100xi32, #tpu.memory_space<hbm>> -> memref<100x100xi32, #tpu.memory_space<hbm>>
    %dma_wait3A_29 = arith.constant 0 : i32
    %dma_wait3A_30 = arith.constant 0 : i32
    %dma_wait3A_31 = tpu.memref_slice %arg3[%add3A, %dma_wait3A_29, %dma_wait3A_30] : memref<32x100x100xi32, #tpu.memory_space<hbm>> -> memref<1x100x100xi32, #tpu.memory_space<hbm>>
    %dma_wait3A_32 = tpu.memref_squeeze %dma_wait3A_31 : memref<1x100x100xi32, #tpu.memory_space<hbm>> -> memref<100x100xi32, #tpu.memory_space<hbm>>
    tpu.wait_dma2 semaphore(%arg14 : memref<!tpu.dma_semaphore, #tpu.memory_space<semaphore_mem>>) src(%dma_wait3A_32 : memref<100x100xi32, #tpu.memory_space<hbm>>) dst(%arg6 : memref<100x100xi32, #tpu.memory_space<vmem>>)
    %dma_wait3A_33 = arith.constant 0 : i32
    %dma_wait3A_34 = arith.constant 0 : i32
    %dma_wait3A_35 = tpu.memref_slice %arg4[%add3A, %dma_wait3A_33, %dma_wait3A_34] : memref<32x100x100xi32, #tpu.memory_space<hbm>> -> memref<1x100x100xi32, #tpu.memory_space<hbm>>
    %dma_wait3A_36 = tpu.memref_squeeze %dma_wait3A_35 : memref<1x100x100xi32, #tpu.memory_space<hbm>> -> memref<100x100xi32, #tpu.memory_space<hbm>>
    %dma_wait3A_37 = arith.constant 0 : i32
    %dma_wait3A_38 = arith.constant 0 : i32
    %dma_wait3A_39 = tpu.memref_slice %arg4[%add3A, %dma_wait3A_37, %dma_wait3A_38] : memref<32x100x100xi32, #tpu.memory_space<hbm>> -> memref<1x100x100xi32, #tpu.memory_space<hbm>>
    %dma_wait3A_40 = tpu.memref_squeeze %dma_wait3A_39 : memref<1x100x100xi32, #tpu.memory_space<hbm>> -> memref<100x100xi32, #tpu.memory_space<hbm>>
    tpu.wait_dma2 semaphore(%arg14 : memref<!tpu.dma_semaphore, #tpu.memory_space<semaphore_mem>>) src(%dma_wait3A_40 : memref<100x100xi32, #tpu.memory_space<hbm>>) dst(%arg7 : memref<100x100xi32, #tpu.memory_space<vmem>>)
    %barrier3A = arith.constant 0 : index
    tpu.barrier barrier_id(%barrier3A)
    %dma_start3A_41 = arith.constant 0 : i32
    %dma_start3A_42 = arith.constant 0 : i32
    %dma_start3A_43 = tpu.memref_slice %arg6[%dma_start3A_41, %dma_start3A_42] : memref<100x100xi32, #tpu.memory_space<vmem>> -> memref<1x100xi32, #tpu.memory_space<vmem>>
    %dma_start3A_44 = tpu.memref_squeeze %dma_start3A_43 : memref<1x100xi32, #tpu.memory_space<vmem>> -> memref<100xi32, #tpu.memory_space<vmem>>
    %dma_start3A_45 = arith.constant 0 : i32
    %dma_start3A_46 = arith.constant 0 : i32
    %dma_start3A_47 = tpu.memref_slice %arg2[%dma_start3A_45, %dma_start3A_46] : memref<10000x32xf32, #tpu.memory_space<hbm>> -> memref<10000x32xf32, #tpu.memory_space<hbm>>
    tpu.enqueue_indirect_dma source(%dma_start3A_47 : memref<10000x32xf32, #tpu.memory_space<hbm>>) target(%arg8 : memref<100x32xf32, #tpu.memory_space<vmem>>) offsets(%dma_start3A_44 : memref<100xi32, #tpu.memory_space<vmem>>) semaphore(%arg12 : memref<!tpu.dma_semaphore, #tpu.memory_space<semaphore_mem>>)
    %scan3A_48 = arith.constant 0 : i32
    %scan3A_49 = arith.constant 50 : i32
    %scan3A_50 = arith.addi %scan3A_48, %scan3A_49 : i32
    %scan3A_51 = arith.constant 1 : i32
    scf.for %scan3A_60 = %scan3A_48 to %scan3A_50 step %scan3A_51  : i32 {
      %mul3A_61 = arith.constant 1 : i32
      %mul3A_62 = arith.muli %scan3A_60, %mul3A_61 : i32
      %add3A_63 = arith.constant 0 : i32
      %add3A_64 = arith.addi %add3A_63, %mul3A_62 : i32
      %mul3A_65 = arith.constant 2 : i32
      %mul3A_66 = arith.muli %mul3A_65, %add3A_64 : i32
      %add3A_67 = arith.constant 1 : i32
      %add3A_68 = arith.addi %mul3A_66, %add3A_67 : i32
      %dma_start3A_69 = arith.constant 0 : i32
      %dma_start3A_70 = tpu.memref_slice %arg6[%add3A_68, %dma_start3A_69] : memref<100x100xi32, #tpu.memory_space<vmem>> -> memref<1x100xi32, #tpu.memory_space<vmem>>
      %dma_start3A_71 = tpu.memref_squeeze %dma_start3A_70 : memref<1x100xi32, #tpu.memory_space<vmem>> -> memref<100xi32, #tpu.memory_space<vmem>>
      %dma_start3A_72 = arith.constant 0 : i32
      %dma_start3A_73 = arith.constant 0 : i32
      %dma_start3A_74 = tpu.memref_slice %arg2[%dma_start3A_72, %dma_start3A_73] : memref<10000x32xf32, #tpu.memory_space<hbm>> -> memref<10000x32xf32, #tpu.memory_space<hbm>>
      tpu.enqueue_indirect_dma source(%dma_start3A_74 : memref<10000x32xf32, #tpu.memory_space<hbm>>) target(%arg9 : memref<100x32xf32, #tpu.memory_space<vmem>>) offsets(%dma_start3A_71 : memref<100xi32, #tpu.memory_space<vmem>>) semaphore(%arg13 : memref<!tpu.dma_semaphore, #tpu.memory_space<semaphore_mem>>)
      %dma_wait3A_75 = arith.constant 0 : i32
      %dma_wait3A_76 = tpu.memref_slice %arg6[%mul3A_66, %dma_wait3A_75] : memref<100x100xi32, #tpu.memory_space<vmem>> -> memref<1x100xi32, #tpu.memory_space<vmem>>
      %dma_wait3A_77 = tpu.memref_squeeze %dma_wait3A_76 : memref<1x100xi32, #tpu.memory_space<vmem>> -> memref<100xi32, #tpu.memory_space<vmem>>
      %dma_wait3A_78 = arith.constant 0 : i32
      %dma_wait3A_79 = arith.constant 0 : i32
      %dma_wait3A_80 = tpu.memref_slice %arg2[%dma_wait3A_78, %dma_wait3A_79] : memref<10000x32xf32, #tpu.memory_space<hbm>> -> memref<10000x32xf32, #tpu.memory_space<hbm>>
      tpu.wait_indirect_dma semaphore(%arg12 : memref<!tpu.dma_semaphore, #tpu.memory_space<semaphore_mem>>) src(%dma_wait3A_80 : memref<10000x32xf32, #tpu.memory_space<hbm>>) dst(%arg8 : memref<100x32xf32, #tpu.memory_space<vmem>>)
      "tpu.region"() ({
        %run_scoped3A = tpu.sem_alloc : memref<!tpu.dma_semaphore, #tpu.memory_space<semaphore_mem>>
        %dma_start3A_96 = arith.constant 0 : i32
        %dma_start3A_97 = tpu.memref_slice %arg7[%mul3A_66, %dma_start3A_96] : memref<100x100xi32, #tpu.memory_space<vmem>> -> memref<1x100xi32, #tpu.memory_space<vmem>>
        %dma_start3A_98 = tpu.memref_squeeze %dma_start3A_97 : memref<1x100xi32, #tpu.memory_space<vmem>> -> memref<100xi32, #tpu.memory_space<vmem>>
        %dma_start3A_99 = arith.constant 0 : i32
        %dma_start3A_100 = arith.constant 0 : i32
        %dma_start3A_101 = tpu.memref_slice %arg11[%dma_start3A_99, %dma_start3A_100] : memref<10240x32xf32, #tpu.memory_space<vmem_shared>> -> memref<10240x32xf32, #tpu.memory_space<vmem_shared>>
        tpu.enqueue_indirect_dma source(%arg8 : memref<100x32xf32, #tpu.memory_space<vmem>>) target(%dma_start3A_101 : memref<10240x32xf32, #tpu.memory_space<vmem_shared>>) offsets(%dma_start3A_98 : memref<100xi32, #tpu.memory_space<vmem>>) semaphore(%run_scoped3A : memref<!tpu.dma_semaphore, #tpu.memory_space<semaphore_mem>>) {add = true}
        %dma_wait3A_102 = arith.constant 0 : i32
        %dma_wait3A_103 = tpu.memref_slice %arg7[%mul3A_66, %dma_wait3A_102] : memref<100x100xi32, #tpu.memory_space<vmem>> -> memref<1x100xi32, #tpu.memory_space<vmem>>
        %dma_wait3A_104 = tpu.memref_squeeze %dma_wait3A_103 : memref<1x100xi32, #tpu.memory_space<vmem>> -> memref<100xi32, #tpu.memory_space<vmem>>
        %dma_wait3A_105 = arith.constant 0 : i32
        %dma_wait3A_106 = arith.constant 0 : i32
        %dma_wait3A_107 = tpu.memref_slice %arg11[%dma_wait3A_105, %dma_wait3A_106] : memref<10240x32xf32, #tpu.memory_space<vmem_shared>> -> memref<10240x32xf32, #tpu.memory_space<vmem_shared>>
        tpu.wait_indirect_dma semaphore(%run_scoped3A : memref<!tpu.dma_semaphore, #tpu.memory_space<semaphore_mem>>) src(%arg8 : memref<100x32xf32, #tpu.memory_space<vmem>>) dst(%dma_wait3A_107 : memref<10240x32xf32, #tpu.memory_space<vmem_shared>>)
        tpu.yield
      }) : () -> ()
      %lt3A_81 = arith.constant 49 : i32
      %lt3A_82 = arith.cmpi slt, %add3A_64, %lt3A_81 : i32
      %convert_element_type3A_83 = arith.extui %lt3A_82 : i1 to i32
      %cond3A_84 = arith.constant 0 : i32
      %cond3A_85 = arith.cmpi ne, %convert_element_type3A_83, %cond3A_84 : i32
      scf.if %cond3A_85 {
        %add3A_96 = arith.constant 2 : i32
        %add3A_97 = arith.addi %mul3A_66, %add3A_96 : i32
        %dma_start3A_98 = arith.constant 0 : i32
        %dma_start3A_99 = tpu.memref_slice %arg6[%add3A_97, %dma_start3A_98] : memref<100x100xi32, #tpu.memory_space<vmem>> -> memref<1x100xi32, #tpu.memory_space<vmem>>
        %dma_start3A_100 = tpu.memref_squeeze %dma_start3A_99 : memref<1x100xi32, #tpu.memory_space<vmem>> -> memref<100xi32, #tpu.memory_space<vmem>>
        %dma_start3A_101 = arith.constant 0 : i32
        %dma_start3A_102 = arith.constant 0 : i32
        %dma_start3A_103 = tpu.memref_slice %arg2[%dma_start3A_101, %dma_start3A_102] : memref<10000x32xf32, #tpu.memory_space<hbm>> -> memref<10000x32xf32, #tpu.memory_space<hbm>>
        tpu.enqueue_indirect_dma source(%dma_start3A_103 : memref<10000x32xf32, #tpu.memory_space<hbm>>) target(%arg8 : memref<100x32xf32, #tpu.memory_space<vmem>>) offsets(%dma_start3A_100 : memref<100xi32, #tpu.memory_space<vmem>>) semaphore(%arg12 : memref<!tpu.dma_semaphore, #tpu.memory_space<semaphore_mem>>)
      } else {
      }
      %add3A_86 = arith.constant 1 : i32
      %add3A_87 = arith.addi %mul3A_66, %add3A_86 : i32
      %dma_wait3A_88 = arith.constant 0 : i32
      %dma_wait3A_89 = tpu.memref_slice %arg6[%add3A_87, %dma_wait3A_88] : memref<100x100xi32, #tpu.memory_space<vmem>> -> memref<1x100xi32, #tpu.memory_space<vmem>>
      %dma_wait3A_90 = tpu.memref_squeeze %dma_wait3A_89 : memref<1x100xi32, #tpu.memory_space<vmem>> -> memref<100xi32, #tpu.memory_space<vmem>>
      %dma_wait3A_91 = arith.constant 0 : i32
      %dma_wait3A_92 = arith.constant 0 : i32
      %dma_wait3A_93 = tpu.memref_slice %arg2[%dma_wait3A_91, %dma_wait3A_92] : memref<10000x32xf32, #tpu.memory_space<hbm>> -> memref<10000x32xf32, #tpu.memory_space<hbm>>
      tpu.wait_indirect_dma semaphore(%arg13 : memref<!tpu.dma_semaphore, #tpu.memory_space<semaphore_mem>>) src(%dma_wait3A_93 : memref<10000x32xf32, #tpu.memory_space<hbm>>) dst(%arg9 : memref<100x32xf32, #tpu.memory_space<vmem>>)
      %add3A_94 = arith.constant 1 : i32
      %add3A_95 = arith.addi %mul3A_66, %add3A_94 : i32
      "tpu.region"() ({
        %run_scoped3A = tpu.sem_alloc : memref<!tpu.dma_semaphore, #tpu.memory_space<semaphore_mem>>
        %dma_start3A_96 = arith.constant 0 : i32
        %dma_start3A_97 = tpu.memref_slice %arg7[%add3A_95, %dma_start3A_96] : memref<100x100xi32, #tpu.memory_space<vmem>> -> memref<1x100xi32, #tpu.memory_space<vmem>>
        %dma_start3A_98 = tpu.memref_squeeze %dma_start3A_97 : memref<1x100xi32, #tpu.memory_space<vmem>> -> memref<100xi32, #tpu.memory_space<vmem>>
        %dma_start3A_99 = arith.constant 0 : i32
        %dma_start3A_100 = arith.constant 0 : i32
        %dma_start3A_101 = tpu.memref_slice %arg11[%dma_start3A_99, %dma_start3A_100] : memref<10240x32xf32, #tpu.memory_space<vmem_shared>> -> memref<10240x32xf32, #tpu.memory_space<vmem_shared>>
        tpu.enqueue_indirect_dma source(%arg9 : memref<100x32xf32, #tpu.memory_space<vmem>>) target(%dma_start3A_101 : memref<10240x32xf32, #tpu.memory_space<vmem_shared>>) offsets(%dma_start3A_98 : memref<100xi32, #tpu.memory_space<vmem>>) semaphore(%run_scoped3A : memref<!tpu.dma_semaphore, #tpu.memory_space<semaphore_mem>>) {add = true}
        %dma_wait3A_102 = arith.constant 0 : i32
        %dma_wait3A_103 = tpu.memref_slice %arg7[%add3A_95, %dma_wait3A_102] : memref<100x100xi32, #tpu.memory_space<vmem>> -> memref<1x100xi32, #tpu.memory_space<vmem>>
        %dma_wait3A_104 = tpu.memref_squeeze %dma_wait3A_103 : memref<1x100xi32, #tpu.memory_space<vmem>> -> memref<100xi32, #tpu.memory_space<vmem>>
        %dma_wait3A_105 = arith.constant 0 : i32
        %dma_wait3A_106 = arith.constant 0 : i32
        %dma_wait3A_107 = tpu.memref_slice %arg11[%dma_wait3A_105, %dma_wait3A_106] : memref<10240x32xf32, #tpu.memory_space<vmem_shared>> -> memref<10240x32xf32, #tpu.memory_space<vmem_shared>>
        tpu.wait_indirect_dma semaphore(%run_scoped3A : memref<!tpu.dma_semaphore, #tpu.memory_space<semaphore_mem>>) src(%arg9 : memref<100x32xf32, #tpu.memory_space<vmem>>) dst(%dma_wait3A_107 : memref<10240x32xf32, #tpu.memory_space<vmem_shared>>)
        tpu.yield
      }) : () -> ()
    }
    %scan3A_52 = arith.constant 50 : i32
    %barrier3A_53 = arith.constant 0 : index
    tpu.barrier barrier_id(%barrier3A_53)
    %lt3A = arith.constant 15 : i32
    %lt3A_54 = arith.cmpi slt, %arg1, %lt3A : i32
    %convert_element_type3A = arith.extui %lt3A_54 : i1 to i32
    %cond3A = arith.constant 0 : i32
    %cond3A_55 = arith.cmpi ne, %convert_element_type3A, %cond3A : i32
    scf.if %cond3A_55 {
      %mul3A_60 = arith.constant 624 : i32
      %mul3A_61 = arith.muli %arg1, %mul3A_60 : i32
      %mul3A_62 = arith.constant 624 : i32
      %mul3A_63 = arith.muli %arg1, %mul3A_62 : i32
      %dma_start3A_64 = arith.constant 0 : i32
      %dma_start3A_65 = tpu.memref_slice %arg5[%arg0, %mul3A_63, %dma_start3A_64] : memref<2x10000x32xf32, #tpu.memory_space<hbm>> -> memref<1x624x32xf32, #tpu.memory_space<hbm>>
      %dma_start3A_66 = tpu.memref_squeeze %dma_start3A_65 : memref<1x624x32xf32, #tpu.memory_space<hbm>> -> memref<624x32xf32, #tpu.memory_space<hbm>>
      %dma_start3A_67 = arith.constant 0 : i32
      %dma_start3A_68 = tpu.memref_slice %arg11[%mul3A_61, %dma_start3A_67] : memref<10240x32xf32, #tpu.memory_space<vmem_shared>> -> memref<624x32xf32, #tpu.memory_space<vmem_shared>>
      tpu.enqueue_dma source(%dma_start3A_68 : memref<624x32xf32, #tpu.memory_space<vmem_shared>>) target(%dma_start3A_66 : memref<624x32xf32, #tpu.memory_space<hbm>>) target_semaphore(%arg12 : memref<!tpu.dma_semaphore, #tpu.memory_space<semaphore_mem>>)
      %dma_wait3A_69 = arith.constant 0 : i32
      %dma_wait3A_70 = tpu.memref_slice %arg5[%arg0, %mul3A_63, %dma_wait3A_69] : memref<2x10000x32xf32, #tpu.memory_space<hbm>> -> memref<1x624x32xf32, #tpu.memory_space<hbm>>
      %dma_wait3A_71 = tpu.memref_squeeze %dma_wait3A_70 : memref<1x624x32xf32, #tpu.memory_space<hbm>> -> memref<624x32xf32, #tpu.memory_space<hbm>>
      %dma_wait3A_72 = arith.constant 0 : i32
      %dma_wait3A_73 = tpu.memref_slice %arg11[%mul3A_61, %dma_wait3A_72] : memref<10240x32xf32, #tpu.memory_space<vmem_shared>> -> memref<624x32xf32, #tpu.memory_space<vmem_shared>>
      tpu.wait_dma2 semaphore(%arg12 : memref<!tpu.dma_semaphore, #tpu.memory_space<semaphore_mem>>) src(%dma_wait3A_73 : memref<624x32xf32, #tpu.memory_space<vmem_shared>>) dst(%dma_wait3A_71 : memref<624x32xf32, #tpu.memory_space<hbm>>)
    } else {
    }
    %eq3A = arith.constant 15 : i32
    %eq3A_56 = arith.cmpi eq, %arg1, %eq3A : i32
    %convert_element_type3A_57 = arith.extui %eq3A_56 : i1 to i32
    %cond3A_58 = arith.constant 0 : i32
    %cond3A_59 = arith.cmpi ne, %convert_element_type3A_57, %cond3A_58 : i32
    scf.if %cond3A_59 {
      %dma_start3A_60 = arith.constant 9360 : i32
      %dma_start3A_61 = arith.constant 0 : i32
      %dma_start3A_62 = tpu.memref_slice %arg5[%arg0, %dma_start3A_60, %dma_start3A_61] : memref<2x10000x32xf32, #tpu.memory_space<hbm>> -> memref<1x640x32xf32, #tpu.memory_space<hbm>>
      %dma_start3A_63 = tpu.memref_squeeze %dma_start3A_62 : memref<1x640x32xf32, #tpu.memory_space<hbm>> -> memref<640x32xf32, #tpu.memory_space<hbm>>
      %dma_start3A_64 = arith.constant 9360 : i32
      %dma_start3A_65 = arith.constant 0 : i32
      %dma_start3A_66 = tpu.memref_slice %arg11[%dma_start3A_64, %dma_start3A_65] : memref<10240x32xf32, #tpu.memory_space<vmem_shared>> -> memref<640x32xf32, #tpu.memory_space<vmem_shared>>
      tpu.enqueue_dma source(%dma_start3A_66 : memref<640x32xf32, #tpu.memory_space<vmem_shared>>) target(%dma_start3A_63 : memref<640x32xf32, #tpu.memory_space<hbm>>) target_semaphore(%arg12 : memref<!tpu.dma_semaphore, #tpu.memory_space<semaphore_mem>>)
      %dma_wait3A_67 = arith.constant 9360 : i32
      %dma_wait3A_68 = arith.constant 0 : i32
      %dma_wait3A_69 = tpu.memref_slice %arg5[%arg0, %dma_wait3A_67, %dma_wait3A_68] : memref<2x10000x32xf32, #tpu.memory_space<hbm>> -> memref<1x640x32xf32, #tpu.memory_space<hbm>>
      %dma_wait3A_70 = tpu.memref_squeeze %dma_wait3A_69 : memref<1x640x32xf32, #tpu.memory_space<hbm>> -> memref<640x32xf32, #tpu.memory_space<hbm>>
      %dma_wait3A_71 = arith.constant 9360 : i32
      %dma_wait3A_72 = arith.constant 0 : i32
      %dma_wait3A_73 = tpu.memref_slice %arg11[%dma_wait3A_71, %dma_wait3A_72] : memref<10240x32xf32, #tpu.memory_space<vmem_shared>> -> memref<640x32xf32, #tpu.memory_space<vmem_shared>>
      tpu.wait_dma2 semaphore(%arg12 : memref<!tpu.dma_semaphore, #tpu.memory_space<semaphore_mem>>) src(%dma_wait3A_73 : memref<640x32xf32, #tpu.memory_space<vmem_shared>>) dst(%dma_wait3A_70 : memref<640x32xf32, #tpu.memory_space<hbm>>)
    } else {
    }
    return
  }
}

#map = affine_map<(d0, d1) -> (0, 0)>
#map1 = affine_map<(d0, d1) -> (0, 0, 0)>
module attributes {stable_mosaic.version = 14 : i64} {
  func.func @agg(%arg0: i32, %arg1: i32, %arg2: memref<10000x64xf32, #tpu.memory_space<hbm>>, %arg3: memref<32x100x100xi32, #tpu.memory_space<hbm>>, %arg4: memref<32x100x100xi32, #tpu.memory_space<hbm>>, %arg5: memref<2x10000x64xf32, #tpu.memory_space<hbm>>, %arg6: memref<100x100xi32, #tpu.memory_space<vmem>>, %arg7: memref<100x100xi32, #tpu.memory_space<vmem>>, %arg8: memref<100x64xf32, #tpu.memory_space<vmem>>, %arg9: memref<100x64xf32, #tpu.memory_space<vmem>>, %arg10: memref<128x64xf32, #tpu.memory_space<vmem>>, %arg11: memref<10240x64xf32, #tpu.memory_space<vmem_shared>>, %arg12: memref<!tpu.dma_semaphore, #tpu.memory_space<semaphore_mem>>, %arg13: memref<!tpu.dma_semaphore, #tpu.memory_space<semaphore_mem>>, %arg14: memref<!tpu.dma_semaphore, #tpu.memory_space<semaphore_mem>>) attributes {dimension_semantics = [#tpu.dimension_semantics<core_parallel>, #tpu.dimension_semantics<subcore_parallel>], iteration_bounds = array<i64: 2, 16>, scalar_prefetch = 0 : i64, scratch_operands = 9 : i64, tpu.core_type = #tpu.core_type<sc_vector_subcore>, window_params = [{transform_indices = #map}, {transform_indices = #map1}, {transform_indices = #map1}, {transform_indices = #map1}]} {
    %mul3A = arith.constant 2 : i32
    %mul3A_0 = arith.muli %arg1, %mul3A : i32
    %add3A = arith.addi %mul3A_0, %arg0 : i32
    %dma_start3A = arith.constant 0 : i32
    %dma_start3A_1 = arith.constant 0 : i32
    %dma_start3A_2 = tpu.memref_slice %arg3[%add3A, %dma_start3A, %dma_start3A_1] : memref<32x100x100xi32, #tpu.memory_space<hbm>> -> memref<1x100x100xi32, #tpu.memory_space<hbm>>
    %dma_start3A_3 = tpu.memref_squeeze %dma_start3A_2 : memref<1x100x100xi32, #tpu.memory_space<hbm>> -> memref<100x100xi32, #tpu.memory_space<hbm>>
    %dma_start3A_4 = arith.constant 0 : i32
    %dma_start3A_5 = arith.constant 0 : i32
    %dma_start3A_6 = tpu.memref_slice %arg3[%add3A, %dma_start3A_4, %dma_start3A_5] : memref<32x100x100xi32, #tpu.memory_space<hbm>> -> memref<1x100x100xi32, #tpu.memory_space<hbm>>
    %dma_start3A_7 = tpu.memref_squeeze %dma_start3A_6 : memref<1x100x100xi32, #tpu.memory_space<hbm>> -> memref<100x100xi32, #tpu.memory_space<hbm>>
    tpu.enqueue_dma source(%dma_start3A_7 : memref<100x100xi32, #tpu.memory_space<hbm>>) target(%arg6 : memref<100x100xi32, #tpu.memory_space<vmem>>) target_semaphore(%arg14 : memref<!tpu.dma_semaphore, #tpu.memory_space<semaphore_mem>>)
    %dma_start3A_8 = arith.constant 0 : i32
    %dma_start3A_9 = arith.constant 0 : i32
    %dma_start3A_10 = tpu.memref_slice %arg4[%add3A, %dma_start3A_8, %dma_start3A_9] : memref<32x100x100xi32, #tpu.memory_space<hbm>> -> memref<1x100x100xi32, #tpu.memory_space<hbm>>
    %dma_start3A_11 = tpu.memref_squeeze %dma_start3A_10 : memref<1x100x100xi32, #tpu.memory_space<hbm>> -> memref<100x100xi32, #tpu.memory_space<hbm>>
    %dma_start3A_12 = arith.constant 0 : i32
    %dma_start3A_13 = arith.constant 0 : i32
    %dma_start3A_14 = tpu.memref_slice %arg4[%add3A, %dma_start3A_12, %dma_start3A_13] : memref<32x100x100xi32, #tpu.memory_space<hbm>> -> memref<1x100x100xi32, #tpu.memory_space<hbm>>
    %dma_start3A_15 = tpu.memref_squeeze %dma_start3A_14 : memref<1x100x100xi32, #tpu.memory_space<hbm>> -> memref<100x100xi32, #tpu.memory_space<hbm>>
    tpu.enqueue_dma source(%dma_start3A_15 : memref<100x100xi32, #tpu.memory_space<hbm>>) target(%arg7 : memref<100x100xi32, #tpu.memory_space<vmem>>) target_semaphore(%arg14 : memref<!tpu.dma_semaphore, #tpu.memory_space<semaphore_mem>>)
    %broadcast_in_dim3A = arith.constant 0.000000e+00 : f32
    %broadcast_in_dim3A_16 = vector.broadcast %broadcast_in_dim3A : f32 to vector<16xf32>
    %scan3A = arith.constant 0 : i32
    %scan3A_17 = arith.constant 128 : i32
    %scan3A_18 = arith.addi %scan3A, %scan3A_17 : i32
    %scan3A_19 = arith.constant 1 : i32
    scf.for %scan3A_60 = %scan3A to %scan3A_18 step %scan3A_19  : i32 {
      %mul3A_61 = arith.constant 1 : i32
      %mul3A_62 = arith.muli %scan3A_60, %mul3A_61 : i32
      %add3A_63 = arith.constant 0 : i32
      %add3A_64 = arith.addi %add3A_63, %mul3A_62 : i32
      %scan3A_65 = arith.constant 0 : i32
      %scan3A_66 = arith.constant 4 : i32
      %scan3A_67 = arith.addi %scan3A_65, %scan3A_66 : i32
      %scan3A_68 = arith.constant 1 : i32
      scf.for %scan3A_70 = %scan3A_65 to %scan3A_67 step %scan3A_68  : i32 {
        %mul3A_71 = arith.constant 1 : i32
        %mul3A_72 = arith.muli %scan3A_70, %mul3A_71 : i32
        %add3A_73 = arith.constant 0 : i32
        %add3A_74 = arith.addi %add3A_73, %mul3A_72 : i32
        %mul3A_75 = arith.constant 16 : i32
        %mul3A_76 = arith.muli %add3A_74, %mul3A_75 : i32
        %swap3A = arith.index_cast %add3A_64 : i32 to index
        %swap3A_77 = arith.index_cast %mul3A_76 : i32 to index
        %swap3A_78 = tpu.vector_load %arg10[%swap3A, %swap3A_77] {strides = array<i32>} : memref<128x64xf32, #tpu.memory_space<vmem>>, vector<16xf32>,
        tpu.vector_store %arg10[%swap3A, %swap3A_77], %broadcast_in_dim3A_16 {strides = array<i32>} : memref<128x64xf32, #tpu.memory_space<vmem>>, vector<16xf32>,
      }
      %scan3A_69 = arith.constant 4 : i32
    }
    %scan3A_20 = arith.constant 128 : i32
    %scan3A_21 = arith.constant 0 : i32
    %scan3A_22 = arith.constant 5 : i32
    %scan3A_23 = arith.addi %scan3A_21, %scan3A_22 : i32
    %scan3A_24 = arith.constant 1 : i32
    scf.for %scan3A_60 = %scan3A_21 to %scan3A_23 step %scan3A_24  : i32 {
      %mul3A_61 = arith.constant 1 : i32
      %mul3A_62 = arith.muli %scan3A_60, %mul3A_61 : i32
      %add3A_63 = arith.constant 0 : i32
      %add3A_64 = arith.addi %add3A_63, %mul3A_62 : i32
      %mul3A_65 = arith.constant 640 : i32
      %mul3A_66 = arith.muli %arg1, %mul3A_65 : i32
      %mul3A_67 = arith.constant 128 : i32
      %mul3A_68 = arith.muli %add3A_64, %mul3A_67 : i32
      %add3A_69 = arith.addi %mul3A_66, %mul3A_68 : i32
      "tpu.region"() ({
        %run_scoped3A = tpu.sem_alloc : memref<!tpu.dma_semaphore, #tpu.memory_space<semaphore_mem>>
        %dma_start3A_70 = arith.constant 0 : i32
        %dma_start3A_71 = tpu.memref_slice %arg11[%add3A_69, %dma_start3A_70] : memref<10240x64xf32, #tpu.memory_space<vmem_shared>> -> memref<128x64xf32, #tpu.memory_space<vmem_shared>>
        %dma_start3A_72 = arith.constant 0 : i32
        %dma_start3A_73 = tpu.memref_slice %arg11[%add3A_69, %dma_start3A_72] : memref<10240x64xf32, #tpu.memory_space<vmem_shared>> -> memref<128x64xf32, #tpu.memory_space<vmem_shared>>
        tpu.enqueue_dma source(%arg10 : memref<128x64xf32, #tpu.memory_space<vmem>>) target(%dma_start3A_73 : memref<128x64xf32, #tpu.memory_space<vmem_shared>>) target_semaphore(%run_scoped3A : memref<!tpu.dma_semaphore, #tpu.memory_space<semaphore_mem>>)
        %dma_wait3A_74 = arith.constant 0 : i32
        %dma_wait3A_75 = tpu.memref_slice %arg11[%add3A_69, %dma_wait3A_74] : memref<10240x64xf32, #tpu.memory_space<vmem_shared>> -> memref<128x64xf32, #tpu.memory_space<vmem_shared>>
        %dma_wait3A_76 = arith.constant 0 : i32
        %dma_wait3A_77 = tpu.memref_slice %arg11[%add3A_69, %dma_wait3A_76] : memref<10240x64xf32, #tpu.memory_space<vmem_shared>> -> memref<128x64xf32, #tpu.memory_space<vmem_shared>>
        tpu.wait_dma2 semaphore(%run_scoped3A : memref<!tpu.dma_semaphore, #tpu.memory_space<semaphore_mem>>) src(%arg10 : memref<128x64xf32, #tpu.memory_space<vmem>>) dst(%dma_wait3A_77 : memref<128x64xf32, #tpu.memory_space<vmem_shared>>)
        tpu.yield
      }) : () -> ()
    }
    %scan3A_25 = arith.constant 5 : i32
    %dma_wait3A = arith.constant 0 : i32
    %dma_wait3A_26 = arith.constant 0 : i32
    %dma_wait3A_27 = tpu.memref_slice %arg3[%add3A, %dma_wait3A, %dma_wait3A_26] : memref<32x100x100xi32, #tpu.memory_space<hbm>> -> memref<1x100x100xi32, #tpu.memory_space<hbm>>
    %dma_wait3A_28 = tpu.memref_squeeze %dma_wait3A_27 : memref<1x100x100xi32, #tpu.memory_space<hbm>> -> memref<100x100xi32, #tpu.memory_space<hbm>>
    %dma_wait3A_29 = arith.constant 0 : i32
    %dma_wait3A_30 = arith.constant 0 : i32
    %dma_wait3A_31 = tpu.memref_slice %arg3[%add3A, %dma_wait3A_29, %dma_wait3A_30] : memref<32x100x100xi32, #tpu.memory_space<hbm>> -> memref<1x100x100xi32, #tpu.memory_space<hbm>>
    %dma_wait3A_32 = tpu.memref_squeeze %dma_wait3A_31 : memref<1x100x100xi32, #tpu.memory_space<hbm>> -> memref<100x100xi32, #tpu.memory_space<hbm>>
    tpu.wait_dma2 semaphore(%arg14 : memref<!tpu.dma_semaphore, #tpu.memory_space<semaphore_mem>>) src(%dma_wait3A_32 : memref<100x100xi32, #tpu.memory_space<hbm>>) dst(%arg6 : memref<100x100xi32, #tpu.memory_space<vmem>>)
    %dma_wait3A_33 = arith.constant 0 : i32
    %dma_wait3A_34 = arith.constant 0 : i32
    %dma_wait3A_35 = tpu.memref_slice %arg4[%add3A, %dma_wait3A_33, %dma_wait3A_34] : memref<32x100x100xi32, #tpu.memory_space<hbm>> -> memref<1x100x100xi32, #tpu.memory_space<hbm>>
    %dma_wait3A_36 = tpu.memref_squeeze %dma_wait3A_35 : memref<1x100x100xi32, #tpu.memory_space<hbm>> -> memref<100x100xi32, #tpu.memory_space<hbm>>
    %dma_wait3A_37 = arith.constant 0 : i32
    %dma_wait3A_38 = arith.constant 0 : i32
    %dma_wait3A_39 = tpu.memref_slice %arg4[%add3A, %dma_wait3A_37, %dma_wait3A_38] : memref<32x100x100xi32, #tpu.memory_space<hbm>> -> memref<1x100x100xi32, #tpu.memory_space<hbm>>
    %dma_wait3A_40 = tpu.memref_squeeze %dma_wait3A_39 : memref<1x100x100xi32, #tpu.memory_space<hbm>> -> memref<100x100xi32, #tpu.memory_space<hbm>>
    tpu.wait_dma2 semaphore(%arg14 : memref<!tpu.dma_semaphore, #tpu.memory_space<semaphore_mem>>) src(%dma_wait3A_40 : memref<100x100xi32, #tpu.memory_space<hbm>>) dst(%arg7 : memref<100x100xi32, #tpu.memory_space<vmem>>)
    %barrier3A = arith.constant 0 : index
    tpu.barrier barrier_id(%barrier3A)
    %dma_start3A_41 = arith.constant 0 : i32
    %dma_start3A_42 = arith.constant 0 : i32
    %dma_start3A_43 = tpu.memref_slice %arg6[%dma_start3A_41, %dma_start3A_42] : memref<100x100xi32, #tpu.memory_space<vmem>> -> memref<1x100xi32, #tpu.memory_space<vmem>>
    %dma_start3A_44 = tpu.memref_squeeze %dma_start3A_43 : memref<1x100xi32, #tpu.memory_space<vmem>> -> memref<100xi32, #tpu.memory_space<vmem>>
    %dma_start3A_45 = arith.constant 0 : i32
    %dma_start3A_46 = arith.constant 0 : i32
    %dma_start3A_47 = tpu.memref_slice %arg2[%dma_start3A_45, %dma_start3A_46] : memref<10000x64xf32, #tpu.memory_space<hbm>> -> memref<10000x64xf32, #tpu.memory_space<hbm>>
    tpu.enqueue_indirect_dma source(%dma_start3A_47 : memref<10000x64xf32, #tpu.memory_space<hbm>>) target(%arg8 : memref<100x64xf32, #tpu.memory_space<vmem>>) offsets(%dma_start3A_44 : memref<100xi32, #tpu.memory_space<vmem>>) semaphore(%arg12 : memref<!tpu.dma_semaphore, #tpu.memory_space<semaphore_mem>>)
    %scan3A_48 = arith.constant 0 : i32
    %scan3A_49 = arith.constant 50 : i32
    %scan3A_50 = arith.addi %scan3A_48, %scan3A_49 : i32
    %scan3A_51 = arith.constant 1 : i32
    scf.for %scan3A_60 = %scan3A_48 to %scan3A_50 step %scan3A_51  : i32 {
      %mul3A_61 = arith.constant 1 : i32
      %mul3A_62 = arith.muli %scan3A_60, %mul3A_61 : i32
      %add3A_63 = arith.constant 0 : i32
      %add3A_64 = arith.addi %add3A_63, %mul3A_62 : i32
      %mul3A_65 = arith.constant 2 : i32
      %mul3A_66 = arith.muli %mul3A_65, %add3A_64 : i32
      %add3A_67 = arith.constant 1 : i32
      %add3A_68 = arith.addi %mul3A_66, %add3A_67 : i32
      %dma_start3A_69 = arith.constant 0 : i32
      %dma_start3A_70 = tpu.memref_slice %arg6[%add3A_68, %dma_start3A_69] : memref<100x100xi32, #tpu.memory_space<vmem>> -> memref<1x100xi32, #tpu.memory_space<vmem>>
      %dma_start3A_71 = tpu.memref_squeeze %dma_start3A_70 : memref<1x100xi32, #tpu.memory_space<vmem>> -> memref<100xi32, #tpu.memory_space<vmem>>
      %dma_start3A_72 = arith.constant 0 : i32
      %dma_start3A_73 = arith.constant 0 : i32
      %dma_start3A_74 = tpu.memref_slice %arg2[%dma_start3A_72, %dma_start3A_73] : memref<10000x64xf32, #tpu.memory_space<hbm>> -> memref<10000x64xf32, #tpu.memory_space<hbm>>
      tpu.enqueue_indirect_dma source(%dma_start3A_74 : memref<10000x64xf32, #tpu.memory_space<hbm>>) target(%arg9 : memref<100x64xf32, #tpu.memory_space<vmem>>) offsets(%dma_start3A_71 : memref<100xi32, #tpu.memory_space<vmem>>) semaphore(%arg13 : memref<!tpu.dma_semaphore, #tpu.memory_space<semaphore_mem>>)
      %dma_wait3A_75 = arith.constant 0 : i32
      %dma_wait3A_76 = tpu.memref_slice %arg6[%mul3A_66, %dma_wait3A_75] : memref<100x100xi32, #tpu.memory_space<vmem>> -> memref<1x100xi32, #tpu.memory_space<vmem>>
      %dma_wait3A_77 = tpu.memref_squeeze %dma_wait3A_76 : memref<1x100xi32, #tpu.memory_space<vmem>> -> memref<100xi32, #tpu.memory_space<vmem>>
      %dma_wait3A_78 = arith.constant 0 : i32
      %dma_wait3A_79 = arith.constant 0 : i32
      %dma_wait3A_80 = tpu.memref_slice %arg2[%dma_wait3A_78, %dma_wait3A_79] : memref<10000x64xf32, #tpu.memory_space<hbm>> -> memref<10000x64xf32, #tpu.memory_space<hbm>>
      tpu.wait_indirect_dma semaphore(%arg12 : memref<!tpu.dma_semaphore, #tpu.memory_space<semaphore_mem>>) src(%dma_wait3A_80 : memref<10000x64xf32, #tpu.memory_space<hbm>>) dst(%arg8 : memref<100x64xf32, #tpu.memory_space<vmem>>)
      "tpu.region"() ({
        %run_scoped3A = tpu.sem_alloc : memref<!tpu.dma_semaphore, #tpu.memory_space<semaphore_mem>>
        %dma_start3A_96 = arith.constant 0 : i32
        %dma_start3A_97 = tpu.memref_slice %arg7[%mul3A_66, %dma_start3A_96] : memref<100x100xi32, #tpu.memory_space<vmem>> -> memref<1x100xi32, #tpu.memory_space<vmem>>
        %dma_start3A_98 = tpu.memref_squeeze %dma_start3A_97 : memref<1x100xi32, #tpu.memory_space<vmem>> -> memref<100xi32, #tpu.memory_space<vmem>>
        %dma_start3A_99 = arith.constant 0 : i32
        %dma_start3A_100 = arith.constant 0 : i32
        %dma_start3A_101 = tpu.memref_slice %arg11[%dma_start3A_99, %dma_start3A_100] : memref<10240x64xf32, #tpu.memory_space<vmem_shared>> -> memref<10240x64xf32, #tpu.memory_space<vmem_shared>>
        tpu.enqueue_indirect_dma source(%arg8 : memref<100x64xf32, #tpu.memory_space<vmem>>) target(%dma_start3A_101 : memref<10240x64xf32, #tpu.memory_space<vmem_shared>>) offsets(%dma_start3A_98 : memref<100xi32, #tpu.memory_space<vmem>>) semaphore(%run_scoped3A : memref<!tpu.dma_semaphore, #tpu.memory_space<semaphore_mem>>) {add = true}
        %dma_wait3A_102 = arith.constant 0 : i32
        %dma_wait3A_103 = tpu.memref_slice %arg7[%mul3A_66, %dma_wait3A_102] : memref<100x100xi32, #tpu.memory_space<vmem>> -> memref<1x100xi32, #tpu.memory_space<vmem>>
        %dma_wait3A_104 = tpu.memref_squeeze %dma_wait3A_103 : memref<1x100xi32, #tpu.memory_space<vmem>> -> memref<100xi32, #tpu.memory_space<vmem>>
        %dma_wait3A_105 = arith.constant 0 : i32
        %dma_wait3A_106 = arith.constant 0 : i32
        %dma_wait3A_107 = tpu.memref_slice %arg11[%dma_wait3A_105, %dma_wait3A_106] : memref<10240x64xf32, #tpu.memory_space<vmem_shared>> -> memref<10240x64xf32, #tpu.memory_space<vmem_shared>>
        tpu.wait_indirect_dma semaphore(%run_scoped3A : memref<!tpu.dma_semaphore, #tpu.memory_space<semaphore_mem>>) src(%arg8 : memref<100x64xf32, #tpu.memory_space<vmem>>) dst(%dma_wait3A_107 : memref<10240x64xf32, #tpu.memory_space<vmem_shared>>)
        tpu.yield
      }) : () -> ()
      %lt3A_81 = arith.constant 49 : i32
      %lt3A_82 = arith.cmpi slt, %add3A_64, %lt3A_81 : i32
      %convert_element_type3A_83 = arith.extui %lt3A_82 : i1 to i32
      %cond3A_84 = arith.constant 0 : i32
      %cond3A_85 = arith.cmpi ne, %convert_element_type3A_83, %cond3A_84 : i32
      scf.if %cond3A_85 {
        %add3A_96 = arith.constant 2 : i32
        %add3A_97 = arith.addi %mul3A_66, %add3A_96 : i32
        %dma_start3A_98 = arith.constant 0 : i32
        %dma_start3A_99 = tpu.memref_slice %arg6[%add3A_97, %dma_start3A_98] : memref<100x100xi32, #tpu.memory_space<vmem>> -> memref<1x100xi32, #tpu.memory_space<vmem>>
        %dma_start3A_100 = tpu.memref_squeeze %dma_start3A_99 : memref<1x100xi32, #tpu.memory_space<vmem>> -> memref<100xi32, #tpu.memory_space<vmem>>
        %dma_start3A_101 = arith.constant 0 : i32
        %dma_start3A_102 = arith.constant 0 : i32
        %dma_start3A_103 = tpu.memref_slice %arg2[%dma_start3A_101, %dma_start3A_102] : memref<10000x64xf32, #tpu.memory_space<hbm>> -> memref<10000x64xf32, #tpu.memory_space<hbm>>
        tpu.enqueue_indirect_dma source(%dma_start3A_103 : memref<10000x64xf32, #tpu.memory_space<hbm>>) target(%arg8 : memref<100x64xf32, #tpu.memory_space<vmem>>) offsets(%dma_start3A_100 : memref<100xi32, #tpu.memory_space<vmem>>) semaphore(%arg12 : memref<!tpu.dma_semaphore, #tpu.memory_space<semaphore_mem>>)
      } else {
      }
      %add3A_86 = arith.constant 1 : i32
      %add3A_87 = arith.addi %mul3A_66, %add3A_86 : i32
      %dma_wait3A_88 = arith.constant 0 : i32
      %dma_wait3A_89 = tpu.memref_slice %arg6[%add3A_87, %dma_wait3A_88] : memref<100x100xi32, #tpu.memory_space<vmem>> -> memref<1x100xi32, #tpu.memory_space<vmem>>
      %dma_wait3A_90 = tpu.memref_squeeze %dma_wait3A_89 : memref<1x100xi32, #tpu.memory_space<vmem>> -> memref<100xi32, #tpu.memory_space<vmem>>
      %dma_wait3A_91 = arith.constant 0 : i32
      %dma_wait3A_92 = arith.constant 0 : i32
      %dma_wait3A_93 = tpu.memref_slice %arg2[%dma_wait3A_91, %dma_wait3A_92] : memref<10000x64xf32, #tpu.memory_space<hbm>> -> memref<10000x64xf32, #tpu.memory_space<hbm>>
      tpu.wait_indirect_dma semaphore(%arg13 : memref<!tpu.dma_semaphore, #tpu.memory_space<semaphore_mem>>) src(%dma_wait3A_93 : memref<10000x64xf32, #tpu.memory_space<hbm>>) dst(%arg9 : memref<100x64xf32, #tpu.memory_space<vmem>>)
      %add3A_94 = arith.constant 1 : i32
      %add3A_95 = arith.addi %mul3A_66, %add3A_94 : i32
      "tpu.region"() ({
        %run_scoped3A = tpu.sem_alloc : memref<!tpu.dma_semaphore, #tpu.memory_space<semaphore_mem>>
        %dma_start3A_96 = arith.constant 0 : i32
        %dma_start3A_97 = tpu.memref_slice %arg7[%add3A_95, %dma_start3A_96] : memref<100x100xi32, #tpu.memory_space<vmem>> -> memref<1x100xi32, #tpu.memory_space<vmem>>
        %dma_start3A_98 = tpu.memref_squeeze %dma_start3A_97 : memref<1x100xi32, #tpu.memory_space<vmem>> -> memref<100xi32, #tpu.memory_space<vmem>>
        %dma_start3A_99 = arith.constant 0 : i32
        %dma_start3A_100 = arith.constant 0 : i32
        %dma_start3A_101 = tpu.memref_slice %arg11[%dma_start3A_99, %dma_start3A_100] : memref<10240x64xf32, #tpu.memory_space<vmem_shared>> -> memref<10240x64xf32, #tpu.memory_space<vmem_shared>>
        tpu.enqueue_indirect_dma source(%arg9 : memref<100x64xf32, #tpu.memory_space<vmem>>) target(%dma_start3A_101 : memref<10240x64xf32, #tpu.memory_space<vmem_shared>>) offsets(%dma_start3A_98 : memref<100xi32, #tpu.memory_space<vmem>>) semaphore(%run_scoped3A : memref<!tpu.dma_semaphore, #tpu.memory_space<semaphore_mem>>) {add = true}
        %dma_wait3A_102 = arith.constant 0 : i32
        %dma_wait3A_103 = tpu.memref_slice %arg7[%add3A_95, %dma_wait3A_102] : memref<100x100xi32, #tpu.memory_space<vmem>> -> memref<1x100xi32, #tpu.memory_space<vmem>>
        %dma_wait3A_104 = tpu.memref_squeeze %dma_wait3A_103 : memref<1x100xi32, #tpu.memory_space<vmem>> -> memref<100xi32, #tpu.memory_space<vmem>>
        %dma_wait3A_105 = arith.constant 0 : i32
        %dma_wait3A_106 = arith.constant 0 : i32
        %dma_wait3A_107 = tpu.memref_slice %arg11[%dma_wait3A_105, %dma_wait3A_106] : memref<10240x64xf32, #tpu.memory_space<vmem_shared>> -> memref<10240x64xf32, #tpu.memory_space<vmem_shared>>
        tpu.wait_indirect_dma semaphore(%run_scoped3A : memref<!tpu.dma_semaphore, #tpu.memory_space<semaphore_mem>>) src(%arg9 : memref<100x64xf32, #tpu.memory_space<vmem>>) dst(%dma_wait3A_107 : memref<10240x64xf32, #tpu.memory_space<vmem_shared>>)
        tpu.yield
      }) : () -> ()
    }
    %scan3A_52 = arith.constant 50 : i32
    %barrier3A_53 = arith.constant 0 : index
    tpu.barrier barrier_id(%barrier3A_53)
    %lt3A = arith.constant 15 : i32
    %lt3A_54 = arith.cmpi slt, %arg1, %lt3A : i32
    %convert_element_type3A = arith.extui %lt3A_54 : i1 to i32
    %cond3A = arith.constant 0 : i32
    %cond3A_55 = arith.cmpi ne, %convert_element_type3A, %cond3A : i32
    scf.if %cond3A_55 {
      %mul3A_60 = arith.constant 624 : i32
      %mul3A_61 = arith.muli %arg1, %mul3A_60 : i32
      %mul3A_62 = arith.constant 624 : i32
      %mul3A_63 = arith.muli %arg1, %mul3A_62 : i32
      %dma_start3A_64 = arith.constant 0 : i32
      %dma_start3A_65 = tpu.memref_slice %arg5[%arg0, %mul3A_63, %dma_start3A_64] : memref<2x10000x64xf32, #tpu.memory_space<hbm>> -> memref<1x624x64xf32, #tpu.memory_space<hbm>>
      %dma_start3A_66 = tpu.memref_squeeze %dma_start3A_65 : memref<1x624x64xf32, #tpu.memory_space<hbm>> -> memref<624x64xf32, #tpu.memory_space<hbm>>
      %dma_start3A_67 = arith.constant 0 : i32
      %dma_start3A_68 = tpu.memref_slice %arg11[%mul3A_61, %dma_start3A_67] : memref<10240x64xf32, #tpu.memory_space<vmem_shared>> -> memref<624x64xf32, #tpu.memory_space<vmem_shared>>
      tpu.enqueue_dma source(%dma_start3A_68 : memref<624x64xf32, #tpu.memory_space<vmem_shared>>) target(%dma_start3A_66 : memref<624x64xf32, #tpu.memory_space<hbm>>) target_semaphore(%arg12 : memref<!tpu.dma_semaphore, #tpu.memory_space<semaphore_mem>>)
      %dma_wait3A_69 = arith.constant 0 : i32
      %dma_wait3A_70 = tpu.memref_slice %arg5[%arg0, %mul3A_63, %dma_wait3A_69] : memref<2x10000x64xf32, #tpu.memory_space<hbm>> -> memref<1x624x64xf32, #tpu.memory_space<hbm>>
      %dma_wait3A_71 = tpu.memref_squeeze %dma_wait3A_70 : memref<1x624x64xf32, #tpu.memory_space<hbm>> -> memref<624x64xf32, #tpu.memory_space<hbm>>
      %dma_wait3A_72 = arith.constant 0 : i32
      %dma_wait3A_73 = tpu.memref_slice %arg11[%mul3A_61, %dma_wait3A_72] : memref<10240x64xf32, #tpu.memory_space<vmem_shared>> -> memref<624x64xf32, #tpu.memory_space<vmem_shared>>
      tpu.wait_dma2 semaphore(%arg12 : memref<!tpu.dma_semaphore, #tpu.memory_space<semaphore_mem>>) src(%dma_wait3A_73 : memref<624x64xf32, #tpu.memory_space<vmem_shared>>) dst(%dma_wait3A_71 : memref<624x64xf32, #tpu.memory_space<hbm>>)
    } else {
    }
    %eq3A = arith.constant 15 : i32
    %eq3A_56 = arith.cmpi eq, %arg1, %eq3A : i32
    %convert_element_type3A_57 = arith.extui %eq3A_56 : i1 to i32
    %cond3A_58 = arith.constant 0 : i32
    %cond3A_59 = arith.cmpi ne, %convert_element_type3A_57, %cond3A_58 : i32
    scf.if %cond3A_59 {
      %dma_start3A_60 = arith.constant 9360 : i32
      %dma_start3A_61 = arith.constant 0 : i32
      %dma_start3A_62 = tpu.memref_slice %arg5[%arg0, %dma_start3A_60, %dma_start3A_61] : memref<2x10000x64xf32, #tpu.memory_space<hbm>> -> memref<1x640x64xf32, #tpu.memory_space<hbm>>
      %dma_start3A_63 = tpu.memref_squeeze %dma_start3A_62 : memref<1x640x64xf32, #tpu.memory_space<hbm>> -> memref<640x64xf32, #tpu.memory_space<hbm>>
      %dma_start3A_64 = arith.constant 9360 : i32
      %dma_start3A_65 = arith.constant 0 : i32
      %dma_start3A_66 = tpu.memref_slice %arg11[%dma_start3A_64, %dma_start3A_65] : memref<10240x64xf32, #tpu.memory_space<vmem_shared>> -> memref<640x64xf32, #tpu.memory_space<vmem_shared>>
      tpu.enqueue_dma source(%dma_start3A_66 : memref<640x64xf32, #tpu.memory_space<vmem_shared>>) target(%dma_start3A_63 : memref<640x64xf32, #tpu.memory_space<hbm>>) target_semaphore(%arg12 : memref<!tpu.dma_semaphore, #tpu.memory_space<semaphore_mem>>)
      %dma_wait3A_67 = arith.constant 9360 : i32
      %dma_wait3A_68 = arith.constant 0 : i32
      %dma_wait3A_69 = tpu.memref_slice %arg5[%arg0, %dma_wait3A_67, %dma_wait3A_68] : memref<2x10000x64xf32, #tpu.memory_space<hbm>> -> memref<1x640x64xf32, #tpu.memory_space<hbm>>
      %dma_wait3A_70 = tpu.memref_squeeze %dma_wait3A_69 : memref<1x640x64xf32, #tpu.memory_space<hbm>> -> memref<640x64xf32, #tpu.memory_space<hbm>>
      %dma_wait3A_71 = arith.constant 9360 : i32
      %dma_wait3A_72 = arith.constant 0 : i32
      %dma_wait3A_73 = tpu.memref_slice %arg11[%dma_wait3A_71, %dma_wait3A_72] : memref<10240x64xf32, #tpu.memory_space<vmem_shared>> -> memref<640x64xf32, #tpu.memory_space<vmem_shared>>
      tpu.wait_dma2 semaphore(%arg12 : memref<!tpu.dma_semaphore, #tpu.memory_space<semaphore_mem>>) src(%dma_wait3A_73 : memref<640x64xf32, #tpu.memory_space<vmem_shared>>) dst(%dma_wait3A_70 : memref<640x64xf32, #tpu.memory_space<hbm>>)
    } else {
    }
    return
  }
}

module attributes {stable_mosaic.version = 14 : i64} {
  func.func @_mm_body(%arg0: i32, %arg1: memref<2000x128xf32, #tpu.memory_space<vmem>>, %arg2: memref<128x64xf32, #tpu.memory_space<vmem>>, %arg3: memref<2000x64xf32, #tpu.memory_space<vmem>>) attributes {dimension_semantics = [#tpu.dimension_semantics<arbitrary>], iteration_bounds = array<i64: 5>, scalar_prefetch = 0 : i64, scratch_operands = 0 : i64, tpu.core_type = #tpu.core_type<tc>, window_params = [{transform_indices = @transform_0, window_bounds = array<i64: 2000, 128>}, {pipeline_mode = #tpu.pipeline_mode<synchronous>, transform_indices = @transform_1, window_bounds = array<i64: 128, 64>}, {transform_indices = @transform_2, window_bounds = array<i64: 2000, 64>}]} {
    %get3A = arith.constant 0 : index
    %get3A_0 = arith.constant 0 : index
    %get3A_1 = vector.load %arg1[%get3A, %get3A_0] : memref<2000x128xf32, #tpu.memory_space<vmem>>, vector<2000x128xf32>
    %get3A_2 = arith.constant 0 : index
    %get3A_3 = arith.constant 0 : index
    %get3A_4 = vector.load %arg2[%get3A_2, %get3A_3] : memref<128x64xf32, #tpu.memory_space<vmem>>, vector<128x64xf32>
    %dot_general3A = arith.constant dense<0.000000e+00> : vector<2000x64xf32>
    %dot_general3A_5 = tpu.matmul %get3A_1, %get3A_4, %dot_general3A {dimension_numbers = #tpu.dot_dimension_numbers<[1], [0], [0], [1], [0, 0, 1, 1], [], []>, transpose_lhs_hint = false} : vector<2000x128xf32>, vector<128x64xf32>, vector<2000x64xf32> -> vector<2000x64xf32>
    %swap3A = arith.constant 0 : index
    %swap3A_6 = arith.constant 0 : index
    %swap3A_7 = vector.load %arg3[%swap3A, %swap3A_6] : memref<2000x64xf32, #tpu.memory_space<vmem>>, vector<2000x64xf32>
    tpu.vector_store %arg3[%swap3A, %swap3A_6], %dot_general3A_5 {strides = array<i32>} : memref<2000x64xf32, #tpu.memory_space<vmem>>, vector<2000x64xf32>,
    return
  }
  func.func @transform_0(%arg0: i32) -> (i32, i32) {
    %c0_i32 = arith.constant 0 : i32
    %c0_i32_0 = arith.constant 0 : i32
    return %arg0, %c0_i32 : i32, i32
  }
  func.func @transform_1(%arg0: i32) -> (i32, i32) {
    %c0_i32 = arith.constant 0 : i32
    %c0_i32_0 = arith.constant 0 : i32
    %c0_i32_1 = arith.constant 0 : i32
    return %c0_i32, %c0_i32_0 : i32, i32
  }
  func.func @transform_2(%arg0: i32) -> (i32, i32) {
    %c0_i32 = arith.constant 0 : i32
    %c0_i32_0 = arith.constant 0 : i32
    return %arg0, %c0_i32 : i32, i32
  }
}

module attributes {stable_mosaic.version = 14 : i64} {
  func.func @_dinv_body(%arg0: memref<32x10240xf32, #tpu.memory_space<vmem>>, %arg1: memref<1x10240xf32, #tpu.memory_space<vmem>>) attributes {dimension_semantics = [], scalar_prefetch = 0 : i64, scratch_operands = 0 : i64, tpu.core_type = #tpu.core_type<tc>} {
    %get3A = arith.constant 0 : index
    %get3A_0 = arith.constant 0 : index
    %get3A_1 = vector.load %arg0[%get3A, %get3A_0] : memref<32x10240xf32, #tpu.memory_space<vmem>>, vector<32x10240xf32>
    %reduce_sum3A = arith.constant dense<0.000000e+00> : vector<10240xf32>
    %reduce_sum3A_2 = vector.multi_reduction <add>, %get3A_1, %reduce_sum3A [0] : vector<32x10240xf32> to vector<10240xf32>
    %broadcast_in_dim3A = vector.shape_cast %reduce_sum3A_2 : vector<10240xf32> to vector<1x10240xf32>
    %add3A = arith.constant 1.000000e+00 : f32
    %add3A_3 = vector.broadcast %add3A : f32 to vector<1x10240xf32>
    %add3A_4 = arith.addf %broadcast_in_dim3A, %add3A_3 : vector<1x10240xf32>
    %rsqrt3A = math.rsqrt %add3A_4 : vector<1x10240xf32>
    %swap3A = arith.constant 0 : index
    %swap3A_5 = arith.constant 0 : index
    %swap3A_6 = vector.load %arg1[%swap3A, %swap3A_5] : memref<1x10240xf32, #tpu.memory_space<vmem>>, vector<1x10240xf32>
    tpu.vector_store %arg1[%swap3A, %swap3A_5], %rsqrt3A {strides = array<i32>} : memref<1x10240xf32, #tpu.memory_space<vmem>>, vector<1x10240xf32>,
    return
  }
}

module attributes {stable_mosaic.version = 14 : i64} {
  func.func @_scale_body(%arg0: i32, %arg1: memref<2000x64xf32, #tpu.memory_space<vmem>>, %arg2: memref<2000x1xf32, #tpu.memory_space<vmem>>, %arg3: memref<2000x64xf32, #tpu.memory_space<vmem>>) attributes {dimension_semantics = [#tpu.dimension_semantics<arbitrary>], iteration_bounds = array<i64: 5>, scalar_prefetch = 0 : i64, scratch_operands = 0 : i64, tpu.core_type = #tpu.core_type<tc>, window_params = [{transform_indices = @transform_0, window_bounds = array<i64: 2000, 64>}, {transform_indices = @transform_1, window_bounds = array<i64: 2000, 1>}, {transform_indices = @transform_2, window_bounds = array<i64: 2000, 64>}]} {
    %get3A = arith.constant 0 : index
    %get3A_0 = arith.constant 0 : index
    %get3A_1 = vector.load %arg1[%get3A, %get3A_0] : memref<2000x64xf32, #tpu.memory_space<vmem>>, vector<2000x64xf32>
    %get3A_2 = arith.constant 0 : index
    %get3A_3 = arith.constant 0 : index
    %get3A_4 = vector.load %arg2[%get3A_2, %get3A_3] : memref<2000x1xf32, #tpu.memory_space<vmem>>, vector<2000x1xf32>
    %mul3A = vector.broadcast %get3A_4 : vector<2000x1xf32> to vector<2000x64xf32>
    %mul3A_5 = arith.mulf %get3A_1, %mul3A : vector<2000x64xf32>
    %swap3A = arith.constant 0 : index
    %swap3A_6 = arith.constant 0 : index
    %swap3A_7 = vector.load %arg3[%swap3A, %swap3A_6] : memref<2000x64xf32, #tpu.memory_space<vmem>>, vector<2000x64xf32>
    tpu.vector_store %arg3[%swap3A, %swap3A_6], %mul3A_5 {strides = array<i32>} : memref<2000x64xf32, #tpu.memory_space<vmem>>, vector<2000x64xf32>,
    return
  }
  func.func @transform_0(%arg0: i32) -> (i32, i32) {
    %c0_i32 = arith.constant 0 : i32
    %c0_i32_0 = arith.constant 0 : i32
    return %arg0, %c0_i32 : i32, i32
  }
  func.func @transform_1(%arg0: i32) -> (i32, i32) {
    %c0_i32 = arith.constant 0 : i32
    %c0_i32_0 = arith.constant 0 : i32
    return %arg0, %c0_i32 : i32, i32
  }
  func.func @transform_2(%arg0: i32) -> (i32, i32) {
    %c0_i32 = arith.constant 0 : i32
    %c0_i32_0 = arith.constant 0 : i32
    return %arg0, %c0_i32 : i32, i32
  }
}

module attributes {stable_mosaic.version = 14 : i64} {
  func.func @_mid_body(%arg0: i32, %arg1: memref<2x2000x64xf32, #tpu.memory_space<vmem>>, %arg2: memref<2000x64xf32, #tpu.memory_space<vmem>>, %arg3: memref<2000x1xf32, #tpu.memory_space<vmem>>, %arg4: memref<1x64xf32, #tpu.memory_space<vmem>>, %arg5: memref<64x32xf32, #tpu.memory_space<vmem>>, %arg6: memref<2000x32xf32, #tpu.memory_space<vmem>>) attributes {dimension_semantics = [#tpu.dimension_semantics<arbitrary>], iteration_bounds = array<i64: 5>, scalar_prefetch = 0 : i64, scratch_operands = 0 : i64, tpu.core_type = #tpu.core_type<tc>, window_params = [{transform_indices = @transform_0, window_bounds = array<i64: 2, 2000, 64>}, {transform_indices = @transform_1, window_bounds = array<i64: 2000, 64>}, {transform_indices = @transform_2, window_bounds = array<i64: 2000, 1>}, {pipeline_mode = #tpu.pipeline_mode<synchronous>, transform_indices = @transform_3, window_bounds = array<i64: 1, 64>}, {pipeline_mode = #tpu.pipeline_mode<synchronous>, transform_indices = @transform_4, window_bounds = array<i64: 64, 32>}, {transform_indices = @transform_5, window_bounds = array<i64: 2000, 32>}]} {
    %get3A = arith.constant 0 : index
    %get3A_0 = arith.constant 0 : index
    %get3A_1 = arith.constant 0 : index
    %get3A_2 = vector.load %arg1[%get3A, %get3A_0, %get3A_1] : memref<2x2000x64xf32, #tpu.memory_space<vmem>>, vector<1x2000x64xf32>
    %get3A_3 = vector.shape_cast %get3A_2 : vector<1x2000x64xf32> to vector<2000x64xf32>
    %get3A_4 = arith.constant 1 : index
    %get3A_5 = arith.constant 0 : index
    %get3A_6 = arith.constant 0 : index
    %get3A_7 = vector.load %arg1[%get3A_4, %get3A_5, %get3A_6] : memref<2x2000x64xf32, #tpu.memory_space<vmem>>, vector<1x2000x64xf32>
    %get3A_8 = vector.shape_cast %get3A_7 : vector<1x2000x64xf32> to vector<2000x64xf32>
    %add3A = arith.addf %get3A_3, %get3A_8 : vector<2000x64xf32>
    %get3A_9 = arith.constant 0 : index
    %get3A_10 = arith.constant 0 : index
    %get3A_11 = vector.load %arg2[%get3A_9, %get3A_10] : memref<2000x64xf32, #tpu.memory_space<vmem>>, vector<2000x64xf32>
    %add3A_12 = arith.addf %add3A, %get3A_11 : vector<2000x64xf32>
    %get3A_13 = arith.constant 0 : index
    %get3A_14 = arith.constant 0 : index
    %get3A_15 = vector.load %arg3[%get3A_13, %get3A_14] : memref<2000x1xf32, #tpu.memory_space<vmem>>, vector<2000x1xf32>
    %mul3A = vector.broadcast %get3A_15 : vector<2000x1xf32> to vector<2000x64xf32>
    %mul3A_16 = arith.mulf %mul3A, %add3A_12 : vector<2000x64xf32>
    %get3A_17 = arith.constant 0 : index
    %get3A_18 = arith.constant 0 : index
    %get3A_19 = vector.load %arg4[%get3A_17, %get3A_18] : memref<1x64xf32, #tpu.memory_space<vmem>>, vector<1x64xf32>
    %add3A_20 = vector.broadcast %get3A_19 : vector<1x64xf32> to vector<2000x64xf32>
    %add3A_21 = arith.addf %mul3A_16, %add3A_20 : vector<2000x64xf32>
    %max3A = arith.constant 0.000000e+00 : f32
    %max3A_22 = vector.broadcast %max3A : f32 to vector<2000x64xf32>
    %max3A_23 = arith.maximumf %add3A_21, %max3A_22 : vector<2000x64xf32>
    %get3A_24 = arith.constant 0 : index
    %get3A_25 = arith.constant 0 : index
    %get3A_26 = vector.load %arg3[%get3A_24, %get3A_25] : memref<2000x1xf32, #tpu.memory_space<vmem>>, vector<2000x1xf32>
    %get3A_27 = arith.constant 0 : index
    %get3A_28 = arith.constant 0 : index
    %get3A_29 = vector.load %arg5[%get3A_27, %get3A_28] : memref<64x32xf32, #tpu.memory_space<vmem>>, vector<64x32xf32>
    %dot_general3A = arith.constant dense<0.000000e+00> : vector<2000x32xf32>
    %dot_general3A_30 = tpu.matmul %max3A_23, %get3A_29, %dot_general3A {dimension_numbers = #tpu.dot_dimension_numbers<[1], [0], [0], [1], [0, 0, 1, 1], [], []>, transpose_lhs_hint = false} : vector<2000x64xf32>, vector<64x32xf32>, vector<2000x32xf32> -> vector<2000x32xf32>
    %mul3A_31 = vector.broadcast %get3A_26 : vector<2000x1xf32> to vector<2000x32xf32>
    %mul3A_32 = arith.mulf %mul3A_31, %dot_general3A_30 : vector<2000x32xf32>
    %swap3A = arith.constant 0 : index
    %swap3A_33 = arith.constant 0 : index
    %swap3A_34 = vector.load %arg6[%swap3A, %swap3A_33] : memref<2000x32xf32, #tpu.memory_space<vmem>>, vector<2000x32xf32>
    tpu.vector_store %arg6[%swap3A, %swap3A_33], %mul3A_32 {strides = array<i32>} : memref<2000x32xf32, #tpu.memory_space<vmem>>, vector<2000x32xf32>,
    return
  }
  func.func @transform_0(%arg0: i32) -> (i32, i32, i32) {
    %c0_i32 = arith.constant 0 : i32
    %c0_i32_0 = arith.constant 0 : i32
    %c0_i32_1 = arith.constant 0 : i32
    return %c0_i32, %arg0, %c0_i32_0 : i32, i32, i32
  }
  func.func @transform_1(%arg0: i32) -> (i32, i32) {
    %c0_i32 = arith.constant 0 : i32
    %c0_i32_0 = arith.constant 0 : i32
    return %arg0, %c0_i32 : i32, i32
  }
  func.func @transform_2(%arg0: i32) -> (i32, i32) {
    %c0_i32 = arith.constant 0 : i32
    %c0_i32_0 = arith.constant 0 : i32
    return %arg0, %c0_i32 : i32, i32
  }
  func.func @transform_3(%arg0: i32) -> (i32, i32) {
    %c0_i32 = arith.constant 0 : i32
    %c0_i32_0 = arith.constant 0 : i32
    %c0_i32_1 = arith.constant 0 : i32
    return %c0_i32, %c0_i32_0 : i32, i32
  }
  func.func @transform_4(%arg0: i32) -> (i32, i32) {
    %c0_i32 = arith.constant 0 : i32
    %c0_i32_0 = arith.constant 0 : i32
    %c0_i32_1 = arith.constant 0 : i32
    return %c0_i32, %c0_i32_0 : i32, i32
  }
  func.func @transform_5(%arg0: i32) -> (i32, i32) {
    %c0_i32 = arith.constant 0 : i32
    %c0_i32_0 = arith.constant 0 : i32
    return %arg0, %c0_i32 : i32, i32
  }
}

module attributes {stable_mosaic.version = 14 : i64} {
  func.func @_dec_body(%arg0: i32, %arg1: memref<2x2000x32xf32, #tpu.memory_space<vmem>>, %arg2: memref<2000x32xf32, #tpu.memory_space<vmem>>, %arg3: memref<2000x1xf32, #tpu.memory_space<vmem>>, %arg4: memref<1x32xf32, #tpu.memory_space<vmem>>, %arg5: memref<32x64xf32, #tpu.memory_space<vmem>>, %arg6: memref<1x64xf32, #tpu.memory_space<vmem>>, %arg7: memref<64x128xf32, #tpu.memory_space<vmem>>, %arg8: memref<1x128xf32, #tpu.memory_space<vmem>>, %arg9: memref<2000x128xf32, #tpu.memory_space<vmem>>) attributes {dimension_semantics = [#tpu.dimension_semantics<arbitrary>], iteration_bounds = array<i64: 5>, scalar_prefetch = 0 : i64, scratch_operands = 0 : i64, tpu.core_type = #tpu.core_type<tc>, window_params = [{transform_indices = @transform_0, window_bounds = array<i64: 2, 2000, 32>}, {transform_indices = @transform_1, window_bounds = array<i64: 2000, 32>}, {transform_indices = @transform_2, window_bounds = array<i64: 2000, 1>}, {pipeline_mode = #tpu.pipeline_mode<synchronous>, transform_indices = @transform_3, window_bounds = array<i64: 1, 32>}, {pipeline_mode = #tpu.pipeline_mode<synchronous>, transform_indices = @transform_4, window_bounds = array<i64: 32, 64>}, {pipeline_mode = #tpu.pipeline_mode<synchronous>, transform_indices = @transform_5, window_bounds = array<i64: 1, 64>}, {pipeline_mode = #tpu.pipeline_mode<synchronous>, transform_indices = @transform_6, window_bounds = array<i64: 64, 128>}, {pipeline_mode = #tpu.pipeline_mode<synchronous>, transform_indices = @transform_7, window_bounds = array<i64: 1, 128>}, {transform_indices = @transform_8, window_bounds = array<i64: 2000, 128>}]} {
    %get3A = arith.constant 0 : index
    %get3A_0 = arith.constant 0 : index
    %get3A_1 = vector.load %arg3[%get3A, %get3A_0] : memref<2000x1xf32, #tpu.memory_space<vmem>>, vector<2000x1xf32>
    %get3A_2 = arith.constant 0 : index
    %get3A_3 = arith.constant 0 : index
    %get3A_4 = arith.constant 0 : index
    %get3A_5 = vector.load %arg1[%get3A_2, %get3A_3, %get3A_4] : memref<2x2000x32xf32, #tpu.memory_space<vmem>>, vector<1x2000x32xf32>
    %get3A_6 = vector.shape_cast %get3A_5 : vector<1x2000x32xf32> to vector<2000x32xf32>
    %get3A_7 = arith.constant 1 : index
    %get3A_8 = arith.constant 0 : index
    %get3A_9 = arith.constant 0 : index
    %get3A_10 = vector.load %arg1[%get3A_7, %get3A_8, %get3A_9] : memref<2x2000x32xf32, #tpu.memory_space<vmem>>, vector<1x2000x32xf32>
    %get3A_11 = vector.shape_cast %get3A_10 : vector<1x2000x32xf32> to vector<2000x32xf32>
    %add3A = arith.addf %get3A_6, %get3A_11 : vector<2000x32xf32>
    %get3A_12 = arith.constant 0 : index
    %get3A_13 = arith.constant 0 : index
    %get3A_14 = vector.load %arg2[%get3A_12, %get3A_13] : memref<2000x32xf32, #tpu.memory_space<vmem>>, vector<2000x32xf32>
    %add3A_15 = arith.addf %add3A, %get3A_14 : vector<2000x32xf32>
    %mul3A = vector.broadcast %get3A_1 : vector<2000x1xf32> to vector<2000x32xf32>
    %mul3A_16 = arith.mulf %mul3A, %add3A_15 : vector<2000x32xf32>
    %get3A_17 = arith.constant 0 : index
    %get3A_18 = arith.constant 0 : index
    %get3A_19 = vector.load %arg4[%get3A_17, %get3A_18] : memref<1x32xf32, #tpu.memory_space<vmem>>, vector<1x32xf32>
    %add3A_20 = vector.broadcast %get3A_19 : vector<1x32xf32> to vector<2000x32xf32>
    %add3A_21 = arith.addf %mul3A_16, %add3A_20 : vector<2000x32xf32>
    %get3A_22 = arith.constant 0 : index
    %get3A_23 = arith.constant 0 : index
    %get3A_24 = vector.load %arg5[%get3A_22, %get3A_23] : memref<32x64xf32, #tpu.memory_space<vmem>>, vector<32x64xf32>
    %dot_general3A = arith.constant dense<0.000000e+00> : vector<2000x64xf32>
    %dot_general3A_25 = tpu.matmul %add3A_21, %get3A_24, %dot_general3A {dimension_numbers = #tpu.dot_dimension_numbers<[1], [0], [0], [1], [0, 0, 1, 1], [], []>, transpose_lhs_hint = false} : vector<2000x32xf32>, vector<32x64xf32>, vector<2000x64xf32> -> vector<2000x64xf32>
    %get3A_26 = arith.constant 0 : index
    %get3A_27 = arith.constant 0 : index
    %get3A_28 = vector.load %arg6[%get3A_26, %get3A_27] : memref<1x64xf32, #tpu.memory_space<vmem>>, vector<1x64xf32>
    %add3A_29 = vector.broadcast %get3A_28 : vector<1x64xf32> to vector<2000x64xf32>
    %add3A_30 = arith.addf %dot_general3A_25, %add3A_29 : vector<2000x64xf32>
    %max3A = arith.constant 0.000000e+00 : f32
    %max3A_31 = vector.broadcast %max3A : f32 to vector<2000x64xf32>
    %max3A_32 = arith.maximumf %add3A_30, %max3A_31 : vector<2000x64xf32>
    %get3A_33 = arith.constant 0 : index
    %get3A_34 = arith.constant 0 : index
    %get3A_35 = vector.load %arg7[%get3A_33, %get3A_34] : memref<64x128xf32, #tpu.memory_space<vmem>>, vector<64x128xf32>
    %dot_general3A_36 = arith.constant dense<0.000000e+00> : vector<2000x128xf32>
    %dot_general3A_37 = tpu.matmul %max3A_32, %get3A_35, %dot_general3A_36 {dimension_numbers = #tpu.dot_dimension_numbers<[1], [0], [0], [1], [0, 0, 1, 1], [], []>, transpose_lhs_hint = false} : vector<2000x64xf32>, vector<64x128xf32>, vector<2000x128xf32> -> vector<2000x128xf32>
    %get3A_38 = arith.constant 0 : index
    %get3A_39 = arith.constant 0 : index
    %get3A_40 = vector.load %arg8[%get3A_38, %get3A_39] : memref<1x128xf32, #tpu.memory_space<vmem>>, vector<1x128xf32>
    %add3A_41 = vector.broadcast %get3A_40 : vector<1x128xf32> to vector<2000x128xf32>
    %add3A_42 = arith.addf %dot_general3A_37, %add3A_41 : vector<2000x128xf32>
    %max3A_43 = arith.constant 0.000000e+00 : f32
    %max3A_44 = vector.broadcast %max3A_43 : f32 to vector<2000x128xf32>
    %max3A_45 = arith.maximumf %add3A_42, %max3A_44 : vector<2000x128xf32>
    %swap3A = arith.constant 0 : index
    %swap3A_46 = arith.constant 0 : index
    %swap3A_47 = vector.load %arg9[%swap3A, %swap3A_46] : memref<2000x128xf32, #tpu.memory_space<vmem>>, vector<2000x128xf32>
    tpu.vector_store %arg9[%swap3A, %swap3A_46], %max3A_45 {strides = array<i32>} : memref<2000x128xf32, #tpu.memory_space<vmem>>, vector<2000x128xf32>,
    return
  }
  func.func @transform_0(%arg0: i32) -> (i32, i32, i32) {
    %c0_i32 = arith.constant 0 : i32
    %c0_i32_0 = arith.constant 0 : i32
    %c0_i32_1 = arith.constant 0 : i32
    return %c0_i32, %arg0, %c0_i32_0 : i32, i32, i32
  }
  func.func @transform_1(%arg0: i32) -> (i32, i32) {
    %c0_i32 = arith.constant 0 : i32
    %c0_i32_0 = arith.constant 0 : i32
    return %arg0, %c0_i32 : i32, i32
  }
  func.func @transform_2(%arg0: i32) -> (i32, i32) {
    %c0_i32 = arith.constant 0 : i32
    %c0_i32_0 = arith.constant 0 : i32
    return %arg0, %c0_i32 : i32, i32
  }
  func.func @transform_3(%arg0: i32) -> (i32, i32) {
    %c0_i32 = arith.constant 0 : i32
    %c0_i32_0 = arith.constant 0 : i32
    %c0_i32_1 = arith.constant 0 : i32
    return %c0_i32, %c0_i32_0 : i32, i32
  }
  func.func @transform_4(%arg0: i32) -> (i32, i32) {
    %c0_i32 = arith.constant 0 : i32
    %c0_i32_0 = arith.constant 0 : i32
    %c0_i32_1 = arith.constant 0 : i32
    return %c0_i32, %c0_i32_0 : i32, i32
  }
  func.func @transform_5(%arg0: i32) -> (i32, i32) {
    %c0_i32 = arith.constant 0 : i32
    %c0_i32_0 = arith.constant 0 : i32
    %c0_i32_1 = arith.constant 0 : i32
    return %c0_i32, %c0_i32_0 : i32, i32
  }
  func.func @transform_6(%arg0: i32) -> (i32, i32) {
    %c0_i32 = arith.constant 0 : i32
    %c0_i32_0 = arith.constant 0 : i32
    %c0_i32_1 = arith.constant 0 : i32
    return %c0_i32, %c0_i32_0 : i32, i32
  }
  func.func @transform_7(%arg0: i32) -> (i32, i32) {
    %c0_i32 = arith.constant 0 : i32
    %c0_i32_0 = arith.constant 0 : i32
    %c0_i32_1 = arith.constant 0 : i32
    return %c0_i32, %c0_i32_0 : i32, i32
  }
  func.func @transform_8(%arg0: i32) -> (i32, i32) {
    %c0_i32 = arith.constant 0 : i32
    %c0_i32_0 = arith.constant 0 : i32
    return %arg0, %c0_i32 : i32, i32
  }
}

</mosaic_0001>

<sc_bundles>
// kernel: kernel.10.cloned.1.call-start
scs
__scs_entry_jumppad:
0x0: {  	(pc) =	sbr.rel $0x88, $3  }
0x1: {  	(tag) =	ssettag $0x0;
	lr =	simm.s32 $0x1  }
0x2: {  	[smem:$0x3F97] =	sst lr;
	_ =	strace $0xD0000000  }
0x3: {  	_ = 	snop  }
0x4: {  	_ = 	snop  }
0x5: {  	_ = 	snop  }
0x6: {  	_ = 	snop  }
0x7: {  	_ = 	snop  }
__scs_overlays_trampoline_lowered:
0x8: {  	[smem:$0x3FA6] =	sst s0  }
0x9: {  	[smem:$0x3FA7] =	sst s1  }
0xa: {  	[smem:$0x3FA8] =	sst s2  }
0xb: {  	[smem:$0x3FA9] =	sst s3  }
0xc: {  	[smem:$0x3FAA] =	sst s4  }
0xd: {  	[smem:$0x3FAB] =	sst s5  }
0xe: {  	[smem:$0x3FAC] =	sst s6  }
0xf: {  	[smem:$0x3FAD] =	sst s7  }
0x10: {  	[smem:$0x3FAE] =	sst s8  }
0x11: {  	[smem:$0x3FAF] =	sst s9;
	s0 =	simm.s32 @!p0 $0x0  }
0x12: {  	s1 =	sld [smem:$0x3F95];
	s0 =	simm.s32 @p0 $0x1  }
0x13: {  	[smem:$0x3FB0] =	sst s0;
	s0 =	simm.s32 @!p1 $0x0  }
0x14: {  	s2 =	sld [smem:$0x3F94];
	s0 =	simm.s32 @p1 $0x1  }
0x15: {  	[smem:$0x3FB1] =	sst s0;
	s0 =	simm.s32 @!p2 $0x0  }
0x16: {  	s3 =	sld [smem:$0x3FDB];
	s0 =	simm.s32 @p2 $0x1  }
0x17: {  	s4 =	simm.s32 $0x1BF5;
	[smem:$0x3FB3] =	sst s0  }
0x18: {  	s0 =	sld [smem:$0x3F96];
	_ =	swait.ge [sflag:s4], $0x0  }
0x19: {  	s7 =	sld [smem:$0x3F97]  }
0x1a: {  	s8 =	sadd.s32 $0xFFFFE003, lr  }
0x1b: {  	s9 =	sadd.s32 $0xFFFFFEF7, lr;
	s5 =	simm.s32 $0xFFFFFFFF;
	p2 =	slt.u32 s8, $0xFFFFF086  }
0x1c: {  	p1 =	slt.u32 s9, $0xF7A;
	s5 =	simm.s32 @!p2 $0x0  }
0x1d: {  	s5 =	simm.s32 @p1 $0x1;
	p0 =	seq.s32 s7, s2  }
0x1e: {  	s7 =	smul.u32 @!p0 $0xF7A, s2;
	p2 =	seq.s32 @!p0 s5, $0x0  }
0x1f: {  	s9 =	smul.u32 $0xF7A, s1;
	s8 =	simm.s32 @!p0 $0x1BF5;
	p2 =	por !p2, p0  }
0x20: {  	[sflag:s8] =	ssyncset.s32 @!p0 $0xFFFFF086;
	s6 =	sadd.s32 @!p0 s3, s7;
	s7 =	simm.s32 @!p0 $0x108  }
0x21: {  	s3 =	sadd.s32 s3, s9;
	s6 =	sadd.s32 @!p0 $0x88, s6;
	s7 =	simm.s32 @p2 $0x1082  }
0x22: {  	[simem:s7], [sflag:s8] =	dma.local @!p0 [hbm:s6], $0xF7A  }
0x23: {  	s9 =	sor.u32 $0xD0000000, s2;
	s6 =	simm.s32 $0x108;
	_ =	swait.ge @!p0 [sflag:s8], $0x0  }
0x24: {  	s3 =	sadd.s32 $0x88, s3;
	s6 =	simm.s32 @!p1 $0x1082;
	[sflag:s4] =	ssyncset.s32 $0xFFFFF086  }
0x25: {  	[simem:s6], [sflag:s4] =	dma.local [hbm:s3], $0xF7A  }
0x26: {  	[smem:$0x3F97] =	sst s1;
	(tag) =	ssettag s2;
	_ =	strace s9  }
0x27: {  	s1 =	sld [smem:$0x3FA7]  }
0x28: {  	s2 =	sld [smem:$0x3FA8]  }
0x29: {  	s4 =	sld [smem:$0x3FAA]  }
0x2a: {  	p0 =	seq.s32 s5, $0x0;
	s5 =	sld [smem:$0x3FAB]  }
0x2b: {  	s6 =	sld [smem:$0x3FAC]  }
0x2c: {  	s7 =	sld [smem:$0x3FAD]  }
0x2d: {  	s3 =	simm.s32 $0x108;
	s8 =	sld [smem:$0x3FAE]  }
0x2e: {  	s3 =	simm.s32 @!p0 $0x1082;
	s9 =	sld [smem:$0x3FAF]  }
0x2f: {  	lr =	sadd.s32 s0, s3;
	s0 =	sld [smem:$0x3FA6]  }
0x30: {  	s3 =	sld [smem:$0x3FA9]  }
0x31: {  	[smem:$0x3FB2] =	sst s10  }
0x32: {  	s10 =	sld [smem:$0x3FB0];
	_ =	sdelay $0x3  }
0x33: {  	p0 =	seq.s32 s10, $0x1;
	s10 =	sld [smem:$0x3FB2];
	_ =	sdelay $0x3  }
0x34: {  	[smem:$0x3FB2] =	sst s10  }
0x35: {  	s10 =	sld [smem:$0x3FB1];
	_ =	sdelay $0x3  }
0x36: {  	p1 =	seq.s32 s10, $0x1;
	s10 =	sld [smem:$0x3FB2];
	_ =	sdelay $0x3  }
0x37: {  	[smem:$0x3FB2] =	sst s10  }
0x38: {  	s10 =	sld [smem:$0x3FB3]  }
0x39: {  	_ = 	snop;
	(pc) =	sbr.ind lr, $3  }
0x3a: {  	_ = 	snop  }
0x3b: {  	_ = 	snop  }
0x3c: {  	p2 =	seq.s32 s10, $0x1;
	s10 =	sld [smem:$0x3FB2]  }
0x3d: {  	_ =	shalt  }
0x3e: {  	_ =	shalt  }
0x3f: {  	_ =	shalt  }
0x40: {  	_ =	shalt  }
0x41: {  	_ =	shalt  }
0x42: {  	_ =	shalt  }
0x43: {  	_ =	shalt  }
0x44: {  	_ =	shalt  }
0x45: {  	_ =	shalt  }
0x46: {  	_ =	shalt  }
0x47: {  	_ =	shalt  }
0x48: {  	_ =	shalt  }
0x49: {  	_ =	shalt  }
0x4a: {  	_ =	shalt  }
0x4b: {  	_ =	shalt  }
0x4c: {  	_ =	shalt  }
0x4d: {  	_ =	shalt  }
0x4e: {  	_ =	shalt  }
0x4f: {  	_ =	shalt  }
0x50: {  	_ =	shalt  }
0x51: {  	_ =	shalt  }
0x52: {  	_ =	shalt  }
0x53: {  	_ =	shalt  }
0x54: {  	_ =	shalt  }
0x55: {  	_ =	shalt  }
0x56: {  	_ =	shalt  }
0x57: {  	_ =	shalt  }
0x58: {  	_ =	shalt  }
0x59: {  	_ =	shalt  }
0x5a: {  	_ =	shalt  }
0x5b: {  	_ =	shalt  }
0x5c: {  	_ =	shalt  }
0x5d: {  	_ =	shalt  }
0x5e: {  	_ =	shalt  }
0x5f: {  	_ =	shalt  }
0x60: {  	_ =	shalt  }
0x61: {  	_ =	shalt  }
0x62: {  	_ =	shalt  }
0x63: {  	_ =	shalt  }
0x64: {  	_ =	shalt  }
0x65: {  	_ =	shalt  }
0x66: {  	_ =	shalt  }
0x67: {  	_ =	shalt  }
0x68: {  	_ =	shalt  }
0x69: {  	_ =	shalt  }
0x6a: {  	_ =	shalt  }
0x6b: {  	_ =	shalt  }
0x6c: {  	_ =	shalt  }
0x6d: {  	_ =	shalt  }
0x6e: {  	_ =	shalt  }
0x6f: {  	_ =	shalt  }
0x70: {  	_ =	shalt  }
0x71: {  	_ =	shalt  }
0x72: {  	_ =	shalt  }
0x73: {  	_ =	shalt  }
0x74: {  	_ =	shalt  }
0x75: {  	_ =	shalt  }
0x76: {  	_ =	shalt  }
0x77: {  	_ =	shalt  }
0x78: {  	_ =	shalt  }
0x79: {  	_ =	shalt  }
0x7a: {  	_ =	shalt  }
0x7b: {  	_ =	shalt  }
0x7c: {  	_ =	shalt  }
0x7d: {  	_ =	shalt  }
0x7e: {  	_ =	shalt  }
0x7f: {  	_ =	shalt  }
0x80: {  	_ =	shalt  }
0x81: {  	_ =	shalt  }
0x82: {  	_ =	shalt  }
0x83: {  	_ =	shalt  }
0x84: {  	_ =	shalt  }
0x85: {  	_ =	shalt  }
0x86: {  	_ =	shalt  }
0x87: {  	_ =	shalt  }
.Lfunc_end0:
.L_simem_size_0:
called_computation_lowered:
.L_overlay_start_0:
0x88: {  	s2 =	sld [smem:$0x3FD9]  }
0x89: {  	s3 =	sld [smem:$0x3FFE];
	_ =	sdelay $0x1  }
0x8a: {  	s1 =	srdreg.scid  }
0x8b: {  	s0 =	sand.u32 $0x1, s1  }
0x8c: {  	s17 =	sshll.u32 s0, $0xA;
	s2 =	sadd.s32 s3, s2  }
0x8d: {  	s2 =	sadd.s32 s2, s17  }
0x8e: {  	[smem:$0x3FBE] =	sst s2  }
0x8f: {  	_ = 	snop  }
0x90: {  	s2 =	sld [smem:$0x3FD0];
	(tm) =	ssettm $0x1  }
0x91: {  	s18 =	sld [smem:$0x3FFB];
	_ =	sdelay $0x3  }
0x92: {  	_ =	strace s18  }
0x93: {  	s3 =	sld [smem:$0x3FFC];
	_ =	sdelay $0x3  }
0x94: {  	_ =	strace s3  }
0x95: {  	s3 =	sld [smem:$0x3FFD];
	_ =	sdelay $0x3  }
0x96: {  	_ =	strace s3  }
0x97: {  	_ =	strace $0x8FFFFFFF  }
0x98: {  	s19 =	sld [smem:$0x3FDB];
	_ =	sdelay $0x1  }
0x99: {  	s4 =	simm.s32 $_scs_section_size  }
0x9a: {  	s5 =	simm.s32 $_size__tile_overlayer_lowered;
	s6 =	simm.s32 $_tile_overlayer_lowered  }
0x9b: {  	s22 =	simm.s32 $0x1BFF;
	s21 =	sshll.u32 s6, $0x1;
	s3 =	sadd.s32 s4, s19  }
0x9c: {  	s7 =	simm.s32 $0x0;
	s20 =	sshll.u32 s5, $0x1;
	s5 =	sadd.s32 s21, s3  }
0x9d: {  	[timem:s7], [sflag:s22] =	dma.local [hbm:s5], s20  }
0x9e: {  	_ =	swait.ge [sflag:s22], s20  }
0x9f: {  	s4 =	ssub.s32 $0x0, s20;
	[sflag:s22] =	ssyncset.done $0x0  }
0xa0: {  	[sflag:s22] =	ssyncadd.s32 s4;
	_ =	sdelay $0x1  }
0xa1: {  	s23 =	simm.s32 $0x1B8B  }
0xa2: {  	_ =	swait.ge [sflag:s23], $0x1  }
0xa3: {  	[sflag:s23] =	ssyncset.done $0x0  }
0xa4: {  	s25 =	simm.s32 $0x1B8E;
	s24 =	sld [smem:$0x3FFE];
	[sflag:s23] =	ssyncadd.s32 $0xFFFFFFFF  }
0xa5: {  	s26 =	simm.s32 $execute0_lowered;
	[smem:$0x3FD2] =	sst s25  }
0xa6: {  	s5 =	sshll.u32 s26, $0x1;
	_ =	strace $0x80000046;
	[dreg:$0x1] =	wrdreg $0xFFFFFFFF  }
0xa7: {  	s28 =	simm.s32 $_size_execute0_lowered;
	s3 =	sadd.s32 s3, s5;
	[dreg:$0x0] =	wrdreg $0x0  }
0xa8: {  	s5 =	sshll.u32 s28, $0x1;
	[dreg:$0x2] =	wrdreg s3  }
0xa9: {  	[dreg:$0x3] =	wrdreg s5  }
0xaa: {  	[dreg:$0x4] =	wrdreg $0xC0  }
0xab: {  	_ =	task [dreg:s7], $0x5FFFF  }
0xac: {  	[dreg:$0x1] =	wrdreg $0xFFFFFFFF  }
0xad: {  	[dreg:$0x0] =	wrdreg $0x60  }
0xae: {  	[dreg:$0x2] =	wrdreg s24  }
0xaf: {  	[dreg:$0x3] =	wrdreg s2  }
0xb0: {  	[dreg:$0x4] =	wrdreg $0x9  }
0xb1: {  	_ =	task.clear_ibuf [dreg:s7], $0x5FFFF;
	_ =	strace $0x90000046  }
0xb2: {  	s29 =	simm.s32 $0x9;
	_ =	strace $0x80000048  }
0xb3: {  	_ =	swait.ge [sflag:s29], $0x1  }
0xb4: {  	[sflag:s29] =	ssyncadd.s32 $0xFFFFFFFF  }
0xb5: {  	_ =	strace $0x90000048  }
0xb6: {  	_ =	sfence  }
0xb7: {  	s30 =	sld [smem:$0x0];
	_ =	sdelay $0x2  }
0xb8: {  	s31 =	sshll.u32 s1, $0xD;
	s1 =	sshrl.u32 s1, $0x2  }
0xb9: {  	s3 =	sand.u32 $0x4000, s31;
	s1 =	sadd.s32 s1, s30  }
0xba: {  	s0 =	sor.u32 s3, s0;
	s1 =	sshll.u32 s1, $0x11  }
0xbb: {  	s0 =	sor.u32 s1, s0  }
0xbc: {  	s0 =	sadd.s32 $0x8F2B, s0  }
0xbd: {  	[sflag:s0] =	ssyncadd.remote.s32 $0x1  }
0xbe: {  	_ =	sfence.sel $0xFFFF  }
0xbf: {  	[dreg:$0x0] =	wrdreg $0xFFFFFFFF;
	(pc) =	sbr.abs _section_cstart, $3  }
0xc0: {  	[dreg:$0x1] =	wrdreg $0xFFFFFFFF  }
0xc1: {  	_ =	task.clear_ibuf [dreg:s7], $0x2FFFF;
	_ =	strace $0x9FFFFFFF  }
0xc2: {  	(tm) =	ssettm $0x7FFFFFFF  }
0xc3: {  	_ =	shalt  }
tec
execute0_lowered:
.L_overlay_start_1:
0x0: {  	(tag) =	ssettag $0x1  }
0x1: {  	s3 =	rddreg [dreg:$0x0]  }
0x2: {  	s1 =	srdreg.scid;
	s0 =	stileid.u32  }
0x3: {  	s4 =	rddreg [dreg:$0x1];
	s5 =	sand.u32 $0x1, s1;
	s2 =	sshll.u32 s0, $0x1  }
0x4: {  	s1 =	rddreg [dreg:$0x2];
	s6 =	sor.u32 s5, s2  }
0x5: {  	s2 =	simm.s32 $0x0;
	s5 =	ssub.s32 $0x2, s5;
	s7 =	smul.u32 $0x4E2, s6  }
0x6: {  	[smem:$0x7FF] =	sst s2;
	s8 =	sshrl.u32 s5, $0x1;
	s6 =	smul.u32 $0x500, s6  }
0x7: {  	_ =	strace $0x80000047;
	s5 =	ssub.s32 s5, s8;
	s8 =	simm.s32 $0x0  }
0x8: {  	s3 =	sadd.s32 s7, s3;
	s4 =	sadd.s32 s4, s6;
	s5 =	smax.u32 s5, $0x1  }
0x9: {  	v0 =	vimm.f32 $0.0e+00;
	v1 =	vimm.f32 $1.000000000e+00;
	s6 =	simm.s32 $0x1;
	s7 =	simm.s32 $0x2710;
	s3 =	sadd.s32 $0x1E00, s3  }
.LBB2_1:
0xa: {  	[tilespmem:s2], [sflag:$0x1] =	stream.linear.gather [hbm4b:s3+s2], $0x2710, $0x38;
	[tilespmem:$0x4F10] =	vst v63  }
0xb: {  	_ =	swait.ge [sflag:s6], $0x2710  }
0xc: {  	[sflag:s6] =	ssyncset.done $0x0  }
0xd: {  	s9 =	simm.s32 $0x0;
	[sflag:s6] =	ssyncadd.s32 $0xFFFFD8F0  }
.LBB2_2:
0xe: {  	p0 =	sne.s32 s9, $0x9FC0  }
.Ltmp0:
0xf: {  	_ = 	snop;
	(pc) =	sbr.rel @p0 .LBB2_2-.Ltmp0, $3  }
0x10: {  	_ =	sdelay $0x1  }
0x11: {  	s10 =	sshra.s32 s9, $0x2  }
0x12: {  	s9 =	sadd.s32 $0x40, s9;
	[tilespmem:s10+$0x2710] =	vst v0  }
0x13: {  	s10 =	simm.s32 $0x0;
	s9 =	simm.s32 $0x40  }
.LBB2_4:
0x14: {  	p0 =	sne.s32 s9, $0x9C00;
	v2 =	vld [tilespmem:s10+$0x0];
	_ =	sdelay $0x3  }
.Ltmp1:
0x15: {  	(pc) =	sbr.rel @p0 .LBB2_4-.Ltmp1, $2  }
0x16: {  	_ =	sdelay $0x2  }
0x17: {  	s10 =	sshra.s32 s9, $0x2;
	s9 =	sadd.s32 $0x40, s9;
	[tilespmem:v2+s7+$0x0] =	vst.idx.add.f32.msk $0xffff, v1  }
0x18: {  	v2 =	vld [tilespmem:s10+$0x0];
	_ =	sdelay $0x5  }
0x19: {  	s8 =	sadd.s32 $0x1, s8  }
0x1a: {  	p0 =	sne.s32 s8, s5  }
.Ltmp2:
0x1b: {  	[tilespmem:v2+s7+$0x0] =	vst.idx.add.f32.msk $0xffff, v1;
	(pc) =	sbr.rel @p0 .LBB2_1-.Ltmp2, $4  }
0x1c: {  	[hbm4b:s4+s2] =	stream.linear.scatter [tilespmem:s7], [sflag:$0x1], $0x2800, $0x38;
	[tilespmem:$0x4F10] =	vst v63  }
0x1d: {  	_ =	swait.ge [sflag:s6], $0x2800  }
0x1e: {  	[sflag:s6] =	ssyncset.done $0x0  }
0x1f: {  	[sflag:s6] =	ssyncadd.s32 $0xFFFFD800  }
0x20: {  	_ =	sfence.sel $0x180000  }
0x21: {  	[bflag:$0x0] =	sbarrier.arrive $0xFFFF  }
0x22: {  	p0 =	sne.s32 s0, $0x0;
	_ =	strace $0x90000047  }
0x23: {  	s0 =	sadd.s32 @!p0 $0x100000, s1;
	[bflag:$0x2] =	sbarrier.arrive $0xFFFF  }
0x24: {  	[sflag:s0] =	ssyncadd.tile.s32 @!p0 $0x1;
	_ =	shalt  }
.Lfunc_end2:
_tile_overlayer_lowered:
.L_overlay_start_2:
0x25: {  	(tag) =	ssettag $0x2  }
0x26: {  	s0 =	rddreg [dreg:$0x0];
	s2 =	stileid.u32  }
0x27: {  	s1 =	rddreg [dreg:$0x1];
	p0 =	sne.s32 s2, $0x0  }
0x28: {  	s3 =	rddreg [dreg:$0x2];
	[bflag:$0x3] =	sbarrier.arrive $0xFFFF;
	s2 =	simm.s32 @!p0 $0x1C02  }
0x29: {  	[timem:s3], [sflag:s2] =	dma.local @!p0 [hbm:s0], s1  }
0x2a: {  	s0 =	simm.s32 @!p0 $0x2  }
0x2b: {  	_ =	swait.ge @!p0 [sflag:s0], s1  }
0x2c: {  	s1 =	ssub.s32 @!p0 $0x0, s1;
	[sflag:s0] =	ssyncset.done @!p0 $0x0  }
0x2d: {  	[sflag:s0] =	ssyncadd.s32 @!p0 s1  }
0x2e: {  	[bflag:$0x3] =	sbarrier.arrive $0xFFFF  }
0x2f: {  	_ =	shalt  }

// kernel: kernel.13.cloned.1.call-start
scs
__scs_entry_jumppad:
0x0: {  	(pc) =	sbr.rel $0x88, $3  }
0x1: {  	(tag) =	ssettag $0x0;
	lr =	simm.s32 $0x1  }
0x2: {  	[smem:$0x3F97] =	sst lr;
	_ =	strace $0xD0000000  }
0x3: {  	_ = 	snop  }
0x4: {  	_ = 	snop  }
0x5: {  	_ = 	snop  }
0x6: {  	_ = 	snop  }
0x7: {  	_ = 	snop  }
__scs_overlays_trampoline_lowered:
0x8: {  	[smem:$0x3FA6] =	sst s0  }
0x9: {  	[smem:$0x3FA7] =	sst s1  }
0xa: {  	[smem:$0x3FA8] =	sst s2  }
0xb: {  	[smem:$0x3FA9] =	sst s3  }
0xc: {  	[smem:$0x3FAA] =	sst s4  }
0xd: {  	[smem:$0x3FAB] =	sst s5  }
0xe: {  	[smem:$0x3FAC] =	sst s6  }
0xf: {  	[smem:$0x3FAD] =	sst s7  }
0x10: {  	[smem:$0x3FAE] =	sst s8  }
0x11: {  	[smem:$0x3FAF] =	sst s9;
	s0 =	simm.s32 @!p0 $0x0  }
0x12: {  	s1 =	sld [smem:$0x3F95];
	s0 =	simm.s32 @p0 $0x1  }
0x13: {  	[smem:$0x3FB0] =	sst s0;
	s0 =	simm.s32 @!p1 $0x0  }
0x14: {  	s2 =	sld [smem:$0x3F94];
	s0 =	simm.s32 @p1 $0x1  }
0x15: {  	[smem:$0x3FB1] =	sst s0;
	s0 =	simm.s32 @!p2 $0x0  }
0x16: {  	s3 =	sld [smem:$0x3FDB];
	s0 =	simm.s32 @p2 $0x1  }
0x17: {  	s4 =	simm.s32 $0x1BF5;
	[smem:$0x3FB3] =	sst s0  }
0x18: {  	s0 =	sld [smem:$0x3F96];
	_ =	swait.ge [sflag:s4], $0x0  }
0x19: {  	s7 =	sld [smem:$0x3F97]  }
0x1a: {  	s8 =	sadd.s32 $0xFFFFE003, lr  }
0x1b: {  	s9 =	sadd.s32 $0xFFFFFEF7, lr;
	s5 =	simm.s32 $0xFFFFFFFF;
	p2 =	slt.u32 s8, $0xFFFFF086  }
0x1c: {  	p1 =	slt.u32 s9, $0xF7A;
	s5 =	simm.s32 @!p2 $0x0  }
0x1d: {  	s5 =	simm.s32 @p1 $0x1;
	p0 =	seq.s32 s7, s2  }
0x1e: {  	s7 =	smul.u32 @!p0 $0xF7A, s2;
	p2 =	seq.s32 @!p0 s5, $0x0  }
0x1f: {  	s9 =	smul.u32 $0xF7A, s1;
	s8 =	simm.s32 @!p0 $0x1BF5;
	p2 =	por !p2, p0  }
0x20: {  	[sflag:s8] =	ssyncset.s32 @!p0 $0xFFFFF086;
	s6 =	sadd.s32 @!p0 s3, s7;
	s7 =	simm.s32 @!p0 $0x108  }
0x21: {  	s3 =	sadd.s32 s3, s9;
	s6 =	sadd.s32 @!p0 $0x88, s6;
	s7 =	simm.s32 @p2 $0x1082  }
0x22: {  	[simem:s7], [sflag:s8] =	dma.local @!p0 [hbm:s6], $0xF7A  }
0x23: {  	s9 =	sor.u32 $0xD0000000, s2;
	s6 =	simm.s32 $0x108;
	_ =	swait.ge @!p0 [sflag:s8], $0x0  }
0x24: {  	s3 =	sadd.s32 $0x88, s3;
	s6 =	simm.s32 @!p1 $0x1082;
	[sflag:s4] =	ssyncset.s32 $0xFFFFF086  }
0x25: {  	[simem:s6], [sflag:s4] =	dma.local [hbm:s3], $0xF7A  }
0x26: {  	[smem:$0x3F97] =	sst s1;
	(tag) =	ssettag s2;
	_ =	strace s9  }
0x27: {  	s1 =	sld [smem:$0x3FA7]  }
0x28: {  	s2 =	sld [smem:$0x3FA8]  }
0x29: {  	s4 =	sld [smem:$0x3FAA]  }
0x2a: {  	p0 =	seq.s32 s5, $0x0;
	s5 =	sld [smem:$0x3FAB]  }
0x2b: {  	s6 =	sld [smem:$0x3FAC]  }
0x2c: {  	s7 =	sld [smem:$0x3FAD]  }
0x2d: {  	s3 =	simm.s32 $0x108;
	s8 =	sld [smem:$0x3FAE]  }
0x2e: {  	s3 =	simm.s32 @!p0 $0x1082;
	s9 =	sld [smem:$0x3FAF]  }
0x2f: {  	lr =	sadd.s32 s0, s3;
	s0 =	sld [smem:$0x3FA6]  }
0x30: {  	s3 =	sld [smem:$0x3FA9]  }
0x31: {  	[smem:$0x3FB2] =	sst s10  }
0x32: {  	s10 =	sld [smem:$0x3FB0];
	_ =	sdelay $0x3  }
0x33: {  	p0 =	seq.s32 s10, $0x1;
	s10 =	sld [smem:$0x3FB2];
	_ =	sdelay $0x3  }
0x34: {  	[smem:$0x3FB2] =	sst s10  }
0x35: {  	s10 =	sld [smem:$0x3FB1];
	_ =	sdelay $0x3  }
0x36: {  	p1 =	seq.s32 s10, $0x1;
	s10 =	sld [smem:$0x3FB2];
	_ =	sdelay $0x3  }
0x37: {  	[smem:$0x3FB2] =	sst s10  }
0x38: {  	s10 =	sld [smem:$0x3FB3]  }
0x39: {  	_ = 	snop;
	(pc) =	sbr.ind lr, $3  }
0x3a: {  	_ = 	snop  }
0x3b: {  	_ = 	snop  }
0x3c: {  	p2 =	seq.s32 s10, $0x1;
	s10 =	sld [smem:$0x3FB2]  }
0x3d: {  	_ =	shalt  }
0x3e: {  	_ =	shalt  }
0x3f: {  	_ =	shalt  }
0x40: {  	_ =	shalt  }
0x41: {  	_ =	shalt  }
0x42: {  	_ =	shalt  }
0x43: {  	_ =	shalt  }
0x44: {  	_ =	shalt  }
0x45: {  	_ =	shalt  }
0x46: {  	_ =	shalt  }
0x47: {  	_ =	shalt  }
0x48: {  	_ =	shalt  }
0x49: {  	_ =	shalt  }
0x4a: {  	_ =	shalt  }
0x4b: {  	_ =	shalt  }
0x4c: {  	_ =	shalt  }
0x4d: {  	_ =	shalt  }
0x4e: {  	_ =	shalt  }
0x4f: {  	_ =	shalt  }
0x50: {  	_ =	shalt  }
0x51: {  	_ =	shalt  }
0x52: {  	_ =	shalt  }
0x53: {  	_ =	shalt  }
0x54: {  	_ =	shalt  }
0x55: {  	_ =	shalt  }
0x56: {  	_ =	shalt  }
0x57: {  	_ =	shalt  }
0x58: {  	_ =	shalt  }
0x59: {  	_ =	shalt  }
0x5a: {  	_ =	shalt  }
0x5b: {  	_ =	shalt  }
0x5c: {  	_ =	shalt  }
0x5d: {  	_ =	shalt  }
0x5e: {  	_ =	shalt  }
0x5f: {  	_ =	shalt  }
0x60: {  	_ =	shalt  }
0x61: {  	_ =	shalt  }
0x62: {  	_ =	shalt  }
0x63: {  	_ =	shalt  }
0x64: {  	_ =	shalt  }
0x65: {  	_ =	shalt  }
0x66: {  	_ =	shalt  }
0x67: {  	_ =	shalt  }
0x68: {  	_ =	shalt  }
0x69: {  	_ =	shalt  }
0x6a: {  	_ =	shalt  }
0x6b: {  	_ =	shalt  }
0x6c: {  	_ =	shalt  }
0x6d: {  	_ =	shalt  }
0x6e: {  	_ =	shalt  }
0x6f: {  	_ =	shalt  }
0x70: {  	_ =	shalt  }
0x71: {  	_ =	shalt  }
0x72: {  	_ =	shalt  }
0x73: {  	_ =	shalt  }
0x74: {  	_ =	shalt  }
0x75: {  	_ =	shalt  }
0x76: {  	_ =	shalt  }
0x77: {  	_ =	shalt  }
0x78: {  	_ =	shalt  }
0x79: {  	_ =	shalt  }
0x7a: {  	_ =	shalt  }
0x7b: {  	_ =	shalt  }
0x7c: {  	_ =	shalt  }
0x7d: {  	_ =	shalt  }
0x7e: {  	_ =	shalt  }
0x7f: {  	_ =	shalt  }
0x80: {  	_ =	shalt  }
0x81: {  	_ =	shalt  }
0x82: {  	_ =	shalt  }
0x83: {  	_ =	shalt  }
0x84: {  	_ =	shalt  }
0x85: {  	_ =	shalt  }
0x86: {  	_ =	shalt  }
0x87: {  	_ =	shalt  }
.Lfunc_end0:
.L_simem_size_0:
called_computation.1_lowered:
.L_overlay_start_0:
0x88: {  	s2 =	sld [smem:$0x3FD9]  }
0x89: {  	s3 =	sld [smem:$0x3FFE];
	_ =	sdelay $0x1  }
0x8a: {  	s1 =	srdreg.scid  }
0x8b: {  	s0 =	sand.u32 $0x1, s1  }
0x8c: {  	s17 =	sshll.u32 s0, $0xA;
	s2 =	sadd.s32 s3, s2  }
0x8d: {  	s2 =	sadd.s32 s2, s17  }
0x8e: {  	[smem:$0x3FBE] =	sst s2  }
0x8f: {  	_ = 	snop  }
0x90: {  	s2 =	sld [smem:$0x3FD0];
	(tm) =	ssettm $0x1  }
0x91: {  	s18 =	sld [smem:$0x3FFB];
	_ =	sdelay $0x3  }
0x92: {  	_ =	strace s18  }
0x93: {  	s3 =	sld [smem:$0x3FFC];
	_ =	sdelay $0x3  }
0x94: {  	_ =	strace s3  }
0x95: {  	s3 =	sld [smem:$0x3FFD];
	_ =	sdelay $0x3  }
0x96: {  	_ =	strace s3  }
0x97: {  	_ =	strace $0x8FFFFFFF  }
0x98: {  	s19 =	sld [smem:$0x3FDB];
	_ =	sdelay $0x1  }
0x99: {  	s4 =	simm.s32 $_scs_section_size  }
0x9a: {  	s5 =	simm.s32 $_size__tile_overlayer_lowered;
	s6 =	simm.s32 $_tile_overlayer_lowered  }
0x9b: {  	s22 =	simm.s32 $0x1BFF;
	s21 =	sshll.u32 s6, $0x1;
	s3 =	sadd.s32 s4, s19  }
0x9c: {  	s7 =	simm.s32 $0x0;
	s20 =	sshll.u32 s5, $0x1;
	s5 =	sadd.s32 s21, s3  }
0x9d: {  	[timem:s7], [sflag:s22] =	dma.local [hbm:s5], s20  }
0x9e: {  	_ =	swait.ge [sflag:s22], s20  }
0x9f: {  	s4 =	ssub.s32 $0x0, s20;
	[sflag:s22] =	ssyncset.done $0x0  }
0xa0: {  	[sflag:s22] =	ssyncadd.s32 s4;
	_ =	sdelay $0x1  }
0xa1: {  	s23 =	simm.s32 $0x1B8B  }
0xa2: {  	_ =	swait.ge [sflag:s23], $0x1  }
0xa3: {  	[sflag:s23] =	ssyncset.done $0x0  }
0xa4: {  	s25 =	simm.s32 $0x1B8E;
	s24 =	sld [smem:$0x3FFE];
	[sflag:s23] =	ssyncadd.s32 $0xFFFFFFFF  }
0xa5: {  	s26 =	simm.s32 $execute0_lowered;
	[smem:$0x3FD2] =	sst s25  }
0xa6: {  	s5 =	sshll.u32 s26, $0x1;
	_ =	strace $0x80000049;
	[dreg:$0x1] =	wrdreg $0xFFFFFFFF  }
0xa7: {  	s28 =	simm.s32 $_size_execute0_lowered;
	s3 =	sadd.s32 s3, s5;
	[dreg:$0x0] =	wrdreg $0x0  }
0xa8: {  	s5 =	sshll.u32 s28, $0x1;
	[dreg:$0x2] =	wrdreg s3  }
0xa9: {  	[dreg:$0x3] =	wrdreg s5  }
0xaa: {  	[dreg:$0x4] =	wrdreg $0xC0  }
0xab: {  	_ =	task [dreg:s7], $0x5FFFF  }
0xac: {  	[dreg:$0x1] =	wrdreg $0xFFFFFFFF  }
0xad: {  	[dreg:$0x0] =	wrdreg $0x60  }
0xae: {  	[dreg:$0x2] =	wrdreg s24  }
0xaf: {  	[dreg:$0x3] =	wrdreg s2  }
0xb0: {  	[dreg:$0x4] =	wrdreg $0xA3400  }
0xb1: {  	[dreg:$0x5] =	wrdreg $0x9  }
0xb2: {  	_ =	task.clear_ibuf [dreg:s7], $0x6FFFF;
	_ =	strace $0x90000049  }
0xb3: {  	s29 =	simm.s32 $0x9;
	_ =	strace $0x8000004B  }
0xb4: {  	_ =	swait.ge [sflag:s29], $0x1  }
0xb5: {  	[sflag:s29] =	ssyncadd.s32 $0xFFFFFFFF  }
0xb6: {  	_ =	strace $0x9000004B  }
0xb7: {  	_ =	sfence  }
0xb8: {  	s30 =	sld [smem:$0x0];
	_ =	sdelay $0x2  }
0xb9: {  	s31 =	sshll.u32 s1, $0xD;
	s1 =	sshrl.u32 s1, $0x2  }
0xba: {  	s3 =	sand.u32 $0x4000, s31;
	s1 =	sadd.s32 s1, s30  }
0xbb: {  	s0 =	sor.u32 s3, s0;
	s1 =	sshll.u32 s1, $0x11  }
0xbc: {  	s0 =	sor.u32 s1, s0  }
0xbd: {  	s0 =	sadd.s32 $0x8F2B, s0  }
0xbe: {  	[sflag:s0] =	ssyncadd.remote.s32 $0x1  }
0xbf: {  	_ =	sfence.sel $0xFFFF  }
0xc0: {  	[dreg:$0x0] =	wrdreg $0xFFFFFFFF;
	(pc) =	sbr.abs _section_cstart, $3  }
0xc1: {  	[dreg:$0x1] =	wrdreg $0xFFFFFFFF  }
0xc2: {  	_ =	task.clear_ibuf [dreg:s7], $0x2FFFF;
	_ =	strace $0x9FFFFFFF  }
0xc3: {  	(tm) =	ssettm $0x7FFFFFFF  }
tec
execute0_lowered:
.L_overlay_start_1:
0x0: {  	(tag) =	ssettag $0x1  }
0x1: {  	s1 =	rddreg [dreg:$0x0]  }
0x2: {  	s9 =	rddreg [dreg:$0x1];
	s3 =	srdreg.scid  }
0x3: {  	s0 =	stileid.u32;
	s2 =	rddreg [dreg:$0x2];
	s16 =	simm.s32 $0x8340  }
0x4: {  	s17 =	simm.s32 $0x4;
	s18 =	simm.s32 $0x3;
	s19 =	simm.s32 $0x64  }
0x5: {  	s20 =	simm.s32 $0x5140;
	s21 =	simm.s32 $0x6A40;
	s22 =	simm.s32 $0x1  }
0x6: {  	s23 =	simm.s32 $0x2;
	s28 =	simm.s32 $0x5070;
	s29 =	simm.s32 $0x50D8  }
0x7: {  	s30 =	simm.s32 $0x0;
	s4 =	sand.u32 $0x1, s3;
	s10 =	smul.u32 $0x9C00, s0  }
0x8: {  	s5 =	sshll.u32 s0, $0x1;
	s3 =	simm.s32 $0x0;
	s25 =	smul.u32 $0x28000, s0  }
0x9: {  	p0 =	seq.s32 s0, $0xF;
	s5 =	sor.u32 s4, s5;
	[smem:$0x7FF] =	sst s3  }
0xa: {  	s6 =	ssub.s32 $0x2, s4;
	s7 =	smul.u32 $0x9C400, s4;
	s4 =	sadd.s32 $0x20400, s1  }
0xb: {  	s5 =	smul.u32 $0x514, s5;
	_ =	strace $0x8000004A;
	s8 =	sshrl.u32 s6, $0x1  }
0xc: {  	s11 =	ssub.s32 s6, s8;
	s26 =	sadd.s32 s10, s7;
	s8 =	sshrl.u32 s25, $0x2  }
0xd: {  	s12 =	sshrl.u32 s7, $0x3;
	s25 =	sadd.s32 s10, s2;
	s1 =	sadd.s32 s5, s1  }
0xe: {  	s7 =	sadd.s32 s8, s2;
	s31 =	sadd.s32 s9, s12;
	s10 =	smax.u32 s11, $0x1  }
0xf: {  	s25 =	sshrl.u32 @!p0 s25, $0x3;
	s5 =	sadd.s32 $0xBC00, s1;
	s6 =	sadd.s32 $0x16000, s1  }
0x10: {  	s1 =	sshrl.u32 s26, $0x3;
	s11 =	sadd.s32 $0x2000, s7;
	s12 =	sadd.s32 $0x4000, s7  }
0x11: {  	s13 =	sadd.s32 $0x6000, s7;
	s8 =	sadd.s32 s9, s1;
	s1 =	sadd.s32 $0x92400, s2  }
0x12: {  	v0 =	vimm.f32 $0.0e+00;
	s14 =	sadd.s32 $0x8000, s7;
	s9 =	sadd.s32 $0x12480, s31;
	s24 =	sshrl.u32 @p0 s1, $0x3  }
.LBB2_1:
0x13: {  	[tilespmem:s3], [sflag:$0x3] =	stream.linear.gather [hbm4b:s5+s3], $0x28A0, $0x38;
	[tilespmem:$0x14340] =	vst v63  }
0x14: {  	s0 =	simm.s32 $0x28A0;
	s1 =	simm.s32 $0x100;
	s31 =	simm.s32 $0x0  }
0x15: {  	[tilespmem:s0], [sflag:$0x3] =	stream.linear.gather [hbm4b:s6+s3], $0x28A0, $0x38;
	[tilespmem:$0x14340] =	vst v63  }
.LBB2_2:
0x16: {  	p1 =	sne.s32 s1, $0x7F00;
	[tilespmem:s31+$0x8370] =	vst v0;
	s0 =	smov.u32 s1;
	s1 =	sadd.s32 $0x100, s1  }
.Ltmp0:
0x17: {  	[tilespmem:s31+$0x8360] =	vst v0;
	(pc) =	sbr.rel @p1 .LBB2_2-.Ltmp0, $3  }
0x18: {  	[tilespmem:s31+$0x8340] =	vst v0  }
0x19: {  	[tilespmem:s31+$0x8350] =	vst v0;
	_ =	sdelay $0x1  }
0x1a: {  	s31 =	sshra.s32 s0, $0x2  }
0x1b: {  	[tilespmem:s31+$0x8370] =	vst v0  }
0x1c: {  	[tilespmem:s31+$0x8360] =	vst v0  }
0x1d: {  	[tilespmem:s31+$0x8340] =	vst v0  }
0x1e: {  	[tilespmem:s31+$0x8350] =	vst v0  }
0x1f: {  	[spmem:s7] =	stream.linear.scatter [tilespmem:s16], [sflag:$0x4], $0x2000, $0x38;
	[tilespmem:$0x14340] =	vst v63  }
0x20: {  	_ =	swait.ge [sflag:s17], $0x2000  }
0x21: {  	[sflag:s17] =	ssyncset.done $0x0  }
0x22: {  	[sflag:s17] =	ssyncadd.s32 $0xFFFFE000  }
0x23: {  	[spmem:s11] =	stream.linear.scatter [tilespmem:s16], [sflag:$0x4], $0x2000, $0x38;
	[tilespmem:$0x14340] =	vst v63  }
0x24: {  	_ =	swait.ge [sflag:s17], $0x2000  }
0x25: {  	[sflag:s17] =	ssyncset.done $0x0  }
0x26: {  	[sflag:s17] =	ssyncadd.s32 $0xFFFFE000  }
0x27: {  	[spmem:s12] =	stream.linear.scatter [tilespmem:s16], [sflag:$0x4], $0x2000, $0x38;
	[tilespmem:$0x14340] =	vst v63  }
0x28: {  	_ =	swait.ge [sflag:s17], $0x2000  }
0x29: {  	[sflag:s17] =	ssyncset.done $0x0  }
0x2a: {  	[sflag:s17] =	ssyncadd.s32 $0xFFFFE000  }
0x2b: {  	[spmem:s13] =	stream.linear.scatter [tilespmem:s16], [sflag:$0x4], $0x2000, $0x38;
	[tilespmem:$0x14340] =	vst v63  }
0x2c: {  	_ =	swait.ge [sflag:s17], $0x2000  }
0x2d: {  	[sflag:s17] =	ssyncset.done $0x0  }
0x2e: {  	[sflag:s17] =	ssyncadd.s32 $0xFFFFE000  }
0x2f: {  	[spmem:s14] =	stream.linear.scatter [tilespmem:s16], [sflag:$0x4], $0x2000, $0x38;
	[tilespmem:$0x14340] =	vst v63  }
0x30: {  	_ =	swait.ge [sflag:s17], $0x2000  }
0x31: {  	[sflag:s17] =	ssyncset.done $0x0  }
0x32: {  	[sflag:s17] =	ssyncadd.s32 $0xFFFFE000  }
0x33: {  	_ =	swait.ge [sflag:s18], $0x28A0  }
0x34: {  	[sflag:s18] =	ssyncset.done $0x0  }
0x35: {  	[sflag:s18] =	ssyncadd.s32 $0xFFFFD760  }
0x36: {  	_ =	swait.ge [sflag:s18], $0x28A0  }
0x37: {  	[sflag:s18] =	ssyncset.done $0x0  }
0x38: {  	[sflag:s18] =	ssyncadd.s32 $0xFFFFD760  }
0x39: {  	s0 =	simm.s32 $0x0;
	[bflag:$0x0] =	sbarrier.arrive $0xFFFF  }
0x3a: {  	[tilespmem:s20], [sflag:$0x1] =	stream.indirect.gather [hbm4b:s4+s19], $0x40, s0, s19, $0xb8;
	[tilespmem:$0x14340] =	vst v63  }
0x3b: {  	s26 =	simm.s32 $0x68  }
0x3c: {  	[tilespmem:s21], [sflag:$0x2] =	stream.indirect.gather [hbm4b:s4+s19], $0x40, s26, s19, $0xb8;
	[tilespmem:$0x14340] =	vst v63  }
0x3d: {  	_ =	swait.ge [sflag:s22], $0x1900  }
0x3e: {  	[sflag:s22] =	ssyncset.done $0x0  }
0x3f: {  	s1 =	simm.s32 $0x28A0;
	[sflag:s22] =	ssyncadd.s32 $0xFFFFE700  }
0x40: {  	[spmem:s2] =	stream.indirect.scatter.add.f32 [tilespmem:s20], [sflag:$0x4], $0x40, s1, s19, $0xb8;
	[tilespmem:$0x14340] =	vst v63  }
0x41: {  	_ =	swait.ge [sflag:s17], $0x1900  }
0x42: {  	[sflag:s17] =	ssyncset.done $0x0  }
0x43: {  	s15 =	simm.s32 $0xD0;
	[sflag:s17] =	ssyncadd.s32 $0xFFFFE700  }
0x44: {  	[tilespmem:s20], [sflag:$0x1] =	stream.indirect.gather [hbm4b:s4+s19], $0x40, s15, s19, $0xb8;
	[tilespmem:$0x14340] =	vst v63  }
0x45: {  	_ =	swait.ge [sflag:s23], $0x1900  }
0x46: {  	[sflag:s23] =	ssyncset.done $0x0  }
0x47: {  	s26 =	simm.s32 $0x2908;
	[sflag:s23] =	ssyncadd.s32 $0xFFFFE700  }
0x48: {  	[spmem:s2] =	stream.indirect.scatter.add.f32 [tilespmem:s21], [sflag:$0x4], $0x40, s26, s19, $0xb8;
	[tilespmem:$0x14340] =	vst v63  }
0x49: {  	_ =	swait.ge [sflag:s17], $0x1900  }
0x4a: {  	s31 =	simm.s32 $0xD0;
	s1 =	simm.s32 $0x680;
	[sflag:s17] =	ssyncset.done $0x0  }
.LBB2_4:
0x4b: {  	s0 =	sadd.s32 $0x68, s31  }
0x4c: {  	[sflag:s17] =	ssyncadd.s32 $0xFFFFE700;
	s15 =	smov.u32 s1;
	s26 =	sadd.s32 $0x340, s1  }
0x4d: {  	[tilespmem:s21], [sflag:$0x2] =	stream.indirect.gather [hbm4b:s4+s19], $0x40, s0, s19, $0xb8;
	[tilespmem:$0x14340] =	vst v63  }
0x4e: {  	p1 =	sne.s32 s1, $0x9C00;
	_ =	swait.ge [sflag:s22], $0x1900  }
0x4f: {  	[sflag:s22] =	ssyncset.done $0x0  }
0x50: {  	s0 =	sadd.s32 $0x28A0, s31;
	[sflag:s22] =	ssyncadd.s32 $0xFFFFE700  }
0x51: {  	[spmem:s2] =	stream.indirect.scatter.add.f32 [tilespmem:s20], [sflag:$0x4], $0x40, s0, s19, $0xb8;
	[tilespmem:$0x14340] =	vst v63  }
0x52: {  	_ =	swait.ge [sflag:s17], $0x1900  }
0x53: {  	[sflag:s17] =	ssyncset.done $0x0  }
0x54: {  	s0 =	sadd.s32 $0xD0, s31;
	[sflag:s17] =	ssyncadd.s32 $0xFFFFE700  }
0x55: {  	[tilespmem:s20], [sflag:$0x1] =	stream.indirect.gather [hbm4b:s4+s19], $0x40, s0, s19, $0xb8;
	[tilespmem:$0x14340] =	vst v63  }
0x56: {  	_ =	swait.ge [sflag:s23], $0x1900  }
.Ltmp1:
0x57: {  	[sflag:s23] =	ssyncset.done $0x0;
	(pc) =	sbr.rel @p1 .LBB2_4-.Ltmp1, $4  }
0x58: {  	s0 =	sadd.s32 $0x2908, s31;
	[sflag:s23] =	ssyncadd.s32 $0xFFFFE700  }
0x59: {  	[spmem:s2] =	stream.indirect.scatter.add.f32 [tilespmem:s21], [sflag:$0x4], $0x40, s0, s19, $0xb8;
	[tilespmem:$0x14340] =	vst v63  }
0x5a: {  	_ =	swait.ge [sflag:s17], $0x1900  }
0x5b: {  	s1 =	smov.u32 s26;
	s31 =	sshra.s32 s15, $0x2;
	[sflag:s17] =	ssyncset.done $0x0  }
0x5c: {  	s0 =	sadd.s32 $0x68, s31;
	[sflag:s17] =	ssyncadd.s32 $0xFFFFE700  }
0x5d: {  	[tilespmem:s21], [sflag:$0x2] =	stream.indirect.gather [hbm4b:s4+s19], $0x40, s0, s19, $0xb8;
	[tilespmem:$0x14340] =	vst v63  }
0x5e: {  	_ =	swait.ge [sflag:s22], $0x1900  }
0x5f: {  	[sflag:s22] =	ssyncset.done $0x0  }
0x60: {  	s1 =	sadd.s32 $0x28A0, s31;
	[sflag:s22] =	ssyncadd.s32 $0xFFFFE700  }
0x61: {  	[spmem:s2] =	stream.indirect.scatter.add.f32 [tilespmem:s20], [sflag:$0x4], $0x40, s1, s19, $0xb8;
	[tilespmem:$0x14340] =	vst v63  }
0x62: {  	_ =	swait.ge [sflag:s17], $0x1900  }
0x63: {  	[sflag:s17] =	ssyncset.done $0x0  }
0x64: {  	s15 =	sadd.s32 $0xD0, s31;
	[sflag:s17] =	ssyncadd.s32 $0xFFFFE700  }
0x65: {  	[tilespmem:s20], [sflag:$0x1] =	stream.indirect.gather [hbm4b:s4+s19], $0x40, s15, s19, $0xb8;
	[tilespmem:$0x14340] =	vst v63  }
0x66: {  	_ =	swait.ge [sflag:s23], $0x1900  }
0x67: {  	[sflag:s23] =	ssyncset.done $0x0  }
0x68: {  	s26 =	sadd.s32 $0x2908, s31;
	[sflag:s23] =	ssyncadd.s32 $0xFFFFE700  }
0x69: {  	[spmem:s2] =	stream.indirect.scatter.add.f32 [tilespmem:s21], [sflag:$0x4], $0x40, s26, s19, $0xb8;
	[tilespmem:$0x14340] =	vst v63  }
0x6a: {  	_ =	swait.ge [sflag:s17], $0x1900  }
0x6b: {  	[sflag:s17] =	ssyncset.done $0x0  }
0x6c: {  	s31 =	simm.s32 $0x2838;
	[sflag:s17] =	ssyncadd.s32 $0xFFFFE700  }
0x6d: {  	[tilespmem:s21], [sflag:$0x2] =	stream.indirect.gather [hbm4b:s4+s19], $0x40, s31, s19, $0xb8;
	[tilespmem:$0x14340] =	vst v63  }
0x6e: {  	_ =	swait.ge [sflag:s22], $0x1900  }
0x6f: {  	[sflag:s22] =	ssyncset.done $0x0  }
0x70: {  	[sflag:s22] =	ssyncadd.s32 $0xFFFFE700  }
0x71: {  	[spmem:s2] =	stream.indirect.scatter.add.f32 [tilespmem:s20], [sflag:$0x4], $0x40, s28, s19, $0xb8;
	[tilespmem:$0x14340] =	vst v63  }
0x72: {  	_ =	swait.ge [sflag:s17], $0x1900  }
0x73: {  	[sflag:s17] =	ssyncset.done $0x0  }
0x74: {  	[sflag:s17] =	ssyncadd.s32 $0xFFFFE700  }
0x75: {  	_ =	swait.ge [sflag:s23], $0x1900  }
0x76: {  	[sflag:s23] =	ssyncset.done $0x0  }
0x77: {  	[sflag:s23] =	ssyncadd.s32 $0xFFFFE700  }
0x78: {  	[spmem:s2] =	stream.indirect.scatter.add.f32 [tilespmem:s21], [sflag:$0x4], $0x40, s29, s19, $0xb8;
	[tilespmem:$0x14340] =	vst v63  }
0x79: {  	_ =	swait.ge [sflag:s17], $0x1900  }
0x7a: {  	[sflag:s17] =	ssyncset.done $0x0  }
0x7b: {  	[sflag:s17] =	ssyncadd.s32 $0xFFFFE700  }
0x7c: {  	s0 =	simm.s32 @p0 $0x1FC1;
	[bflag:$0x0] =	sbarrier.arrive $0xFFFF  }
0x7d: {  	[hbm:s9], [sflag:s0] =	dma.local @p0 [spmem:s24], $0x1400  }
0x7e: {  	s0 =	simm.s32 @p0 $0x1  }
0x7f: {  	s1 =	stileid.u32;
	_ =	swait.ge @p0 [sflag:s0], $0x1400  }
0x80: {  	s30 =	sadd.s32 $0x1, s30;
	s1 =	sshll.u32 @!p0 s1, $0x6;
	[sflag:s0] =	ssyncset.done @p0 $0x0  }
0x81: {  	p1 =	sne.s32 s30, s10;
	[sflag:s0] =	ssyncadd.s32 @p0 $0xFFFFEC00;
	s0 =	sor.u32 @!p0 $0x1C01, s1  }
0x82: {  	[hbm:s8], [sflag:s0] =	dma.local @!p0 [spmem:s25], $0x1380  }
.Ltmp2:
0x83: {  	_ = 	snop;
	(pc) =	sbr.rel @p1 .LBB2_1-.Ltmp2, $4  }
0x84: {  	s0 =	simm.s32 @!p0 $0x1  }
0x85: {  	_ =	swait.ge @!p0 [sflag:s0], $0x1380  }
0x86: {  	[sflag:s0] =	ssyncset.done @!p0 $0x0  }
0x87: {  	[sflag:s0] =	ssyncadd.s32 @!p0 $0xFFFFEC80  }
0x88: {  	_ =	sfence.sel $0x180000  }
0x89: {  	[bflag:$0x0] =	sbarrier.arrive $0xFFFF  }
0x8a: {  	_ =	strace $0x9000004A  }
0x8b: {  	s0 =	stileid.u32;
	[bflag:$0x2] =	sbarrier.arrive $0xFFFF  }
0x8c: {  	p0 =	sne.s32 s0, $0x0;
	s0 =	rddreg [dreg:$0x3]  }
0x8d: {  	s0 =	sadd.s32 @!p0 $0x100000, s0  }
0x8e: {  	[sflag:s0] =	ssyncadd.tile.s32 @!p0 $0x1;
	_ =	shalt  }
.Lfunc_end2:
_tile_overlayer_lowered:
.L_overlay_start_2:
0x8f: {  	(tag) =	ssettag $0x2  }
0x90: {  	s0 =	rddreg [dreg:$0x0];
	s2 =	stileid.u32  }
0x91: {  	s1 =	rddreg [dreg:$0x1];
	p0 =	sne.s32 s2, $0x0  }
0x92: {  	s3 =	rddreg [dreg:$0x2];
	[bflag:$0x3] =	sbarrier.arrive $0xFFFF;
	s2 =	simm.s32 @!p0 $0x1C04  }
0x93: {  	[timem:s3], [sflag:s2] =	dma.local @!p0 [hbm:s0], s1  }
0x94: {  	s0 =	simm.s32 @!p0 $0x4  }
0x95: {  	_ =	swait.ge @!p0 [sflag:s0], s1  }
0x96: {  	s1 =	ssub.s32 @!p0 $0x0, s1;
	[sflag:s0] =	ssyncset.done @!p0 $0x0  }
0x97: {  	[sflag:s0] =	ssyncadd.s32 @!p0 s1  }
0x98: {  	[bflag:$0x3] =	sbarrier.arrive $0xFFFF  }
0x99: {  	_ =	shalt  }

// kernel: kernel.16.cloned.1.call-start
scs
__scs_entry_jumppad:
0x0: {  	(pc) =	sbr.rel $0x88, $3  }
0x1: {  	(tag) =	ssettag $0x0;
	lr =	simm.s32 $0x1  }
0x2: {  	[smem:$0x3F97] =	sst lr;
	_ =	strace $0xD0000000  }
0x3: {  	_ = 	snop  }
0x4: {  	_ = 	snop  }
0x5: {  	_ = 	snop  }
0x6: {  	_ = 	snop  }
0x7: {  	_ = 	snop  }
__scs_overlays_trampoline_lowered:
0x8: {  	[smem:$0x3FA6] =	sst s0  }
0x9: {  	[smem:$0x3FA7] =	sst s1  }
0xa: {  	[smem:$0x3FA8] =	sst s2  }
0xb: {  	[smem:$0x3FA9] =	sst s3  }
0xc: {  	[smem:$0x3FAA] =	sst s4  }
0xd: {  	[smem:$0x3FAB] =	sst s5  }
0xe: {  	[smem:$0x3FAC] =	sst s6  }
0xf: {  	[smem:$0x3FAD] =	sst s7  }
0x10: {  	[smem:$0x3FAE] =	sst s8  }
0x11: {  	[smem:$0x3FAF] =	sst s9;
	s0 =	simm.s32 @!p0 $0x0  }
0x12: {  	s1 =	sld [smem:$0x3F95];
	s0 =	simm.s32 @p0 $0x1  }
0x13: {  	[smem:$0x3FB0] =	sst s0;
	s0 =	simm.s32 @!p1 $0x0  }
0x14: {  	s2 =	sld [smem:$0x3F94];
	s0 =	simm.s32 @p1 $0x1  }
0x15: {  	[smem:$0x3FB1] =	sst s0;
	s0 =	simm.s32 @!p2 $0x0  }
0x16: {  	s3 =	sld [smem:$0x3FDB];
	s0 =	simm.s32 @p2 $0x1  }
0x17: {  	s4 =	simm.s32 $0x1BF5;
	[smem:$0x3FB3] =	sst s0  }
0x18: {  	s0 =	sld [smem:$0x3F96];
	_ =	swait.ge [sflag:s4], $0x0  }
0x19: {  	s7 =	sld [smem:$0x3F97]  }
0x1a: {  	s8 =	sadd.s32 $0xFFFFE003, lr  }
0x1b: {  	s9 =	sadd.s32 $0xFFFFFEF7, lr;
	s5 =	simm.s32 $0xFFFFFFFF;
	p2 =	slt.u32 s8, $0xFFFFF086  }
0x1c: {  	p1 =	slt.u32 s9, $0xF7A;
	s5 =	simm.s32 @!p2 $0x0  }
0x1d: {  	s5 =	simm.s32 @p1 $0x1;
	p0 =	seq.s32 s7, s2  }
0x1e: {  	s7 =	smul.u32 @!p0 $0xF7A, s2;
	p2 =	seq.s32 @!p0 s5, $0x0  }
0x1f: {  	s9 =	smul.u32 $0xF7A, s1;
	s8 =	simm.s32 @!p0 $0x1BF5;
	p2 =	por !p2, p0  }
0x20: {  	[sflag:s8] =	ssyncset.s32 @!p0 $0xFFFFF086;
	s6 =	sadd.s32 @!p0 s3, s7;
	s7 =	simm.s32 @!p0 $0x108  }
0x21: {  	s3 =	sadd.s32 s3, s9;
	s6 =	sadd.s32 @!p0 $0x88, s6;
	s7 =	simm.s32 @p2 $0x1082  }
0x22: {  	[simem:s7], [sflag:s8] =	dma.local @!p0 [hbm:s6], $0xF7A  }
0x23: {  	s9 =	sor.u32 $0xD0000000, s2;
	s6 =	simm.s32 $0x108;
	_ =	swait.ge @!p0 [sflag:s8], $0x0  }
0x24: {  	s3 =	sadd.s32 $0x88, s3;
	s6 =	simm.s32 @!p1 $0x1082;
	[sflag:s4] =	ssyncset.s32 $0xFFFFF086  }
0x25: {  	[simem:s6], [sflag:s4] =	dma.local [hbm:s3], $0xF7A  }
0x26: {  	[smem:$0x3F97] =	sst s1;
	(tag) =	ssettag s2;
	_ =	strace s9  }
0x27: {  	s1 =	sld [smem:$0x3FA7]  }
0x28: {  	s2 =	sld [smem:$0x3FA8]  }
0x29: {  	s4 =	sld [smem:$0x3FAA]  }
0x2a: {  	p0 =	seq.s32 s5, $0x0;
	s5 =	sld [smem:$0x3FAB]  }
0x2b: {  	s6 =	sld [smem:$0x3FAC]  }
0x2c: {  	s7 =	sld [smem:$0x3FAD]  }
0x2d: {  	s3 =	simm.s32 $0x108;
	s8 =	sld [smem:$0x3FAE]  }
0x2e: {  	s3 =	simm.s32 @!p0 $0x1082;
	s9 =	sld [smem:$0x3FAF]  }
0x2f: {  	lr =	sadd.s32 s0, s3;
	s0 =	sld [smem:$0x3FA6]  }
0x30: {  	s3 =	sld [smem:$0x3FA9]  }
0x31: {  	[smem:$0x3FB2] =	sst s10  }
0x32: {  	s10 =	sld [smem:$0x3FB0];
	_ =	sdelay $0x3  }
0x33: {  	p0 =	seq.s32 s10, $0x1;
	s10 =	sld [smem:$0x3FB2];
	_ =	sdelay $0x3  }
0x34: {  	[smem:$0x3FB2] =	sst s10  }
0x35: {  	s10 =	sld [smem:$0x3FB1];
	_ =	sdelay $0x3  }
0x36: {  	p1 =	seq.s32 s10, $0x1;
	s10 =	sld [smem:$0x3FB2];
	_ =	sdelay $0x3  }
0x37: {  	[smem:$0x3FB2] =	sst s10  }
0x38: {  	s10 =	sld [smem:$0x3FB3]  }
0x39: {  	_ = 	snop;
	(pc) =	sbr.ind lr, $3  }
0x3a: {  	_ = 	snop  }
0x3b: {  	_ = 	snop  }
0x3c: {  	p2 =	seq.s32 s10, $0x1;
	s10 =	sld [smem:$0x3FB2]  }
0x3d: {  	_ =	shalt  }
0x3e: {  	_ =	shalt  }
0x3f: {  	_ =	shalt  }
0x40: {  	_ =	shalt  }
0x41: {  	_ =	shalt  }
0x42: {  	_ =	shalt  }
0x43: {  	_ =	shalt  }
0x44: {  	_ =	shalt  }
0x45: {  	_ =	shalt  }
0x46: {  	_ =	shalt  }
0x47: {  	_ =	shalt  }
0x48: {  	_ =	shalt  }
0x49: {  	_ =	shalt  }
0x4a: {  	_ =	shalt  }
0x4b: {  	_ =	shalt  }
0x4c: {  	_ =	shalt  }
0x4d: {  	_ =	shalt  }
0x4e: {  	_ =	shalt  }
0x4f: {  	_ =	shalt  }
0x50: {  	_ =	shalt  }
0x51: {  	_ =	shalt  }
0x52: {  	_ =	shalt  }
0x53: {  	_ =	shalt  }
0x54: {  	_ =	shalt  }
0x55: {  	_ =	shalt  }
0x56: {  	_ =	shalt  }
0x57: {  	_ =	shalt  }
0x58: {  	_ =	shalt  }
0x59: {  	_ =	shalt  }
0x5a: {  	_ =	shalt  }
0x5b: {  	_ =	shalt  }
0x5c: {  	_ =	shalt  }
0x5d: {  	_ =	shalt  }
0x5e: {  	_ =	shalt  }
0x5f: {  	_ =	shalt  }
0x60: {  	_ =	shalt  }
0x61: {  	_ =	shalt  }
0x62: {  	_ =	shalt  }
0x63: {  	_ =	shalt  }
0x64: {  	_ =	shalt  }
0x65: {  	_ =	shalt  }
0x66: {  	_ =	shalt  }
0x67: {  	_ =	shalt  }
0x68: {  	_ =	shalt  }
0x69: {  	_ =	shalt  }
0x6a: {  	_ =	shalt  }
0x6b: {  	_ =	shalt  }
0x6c: {  	_ =	shalt  }
0x6d: {  	_ =	shalt  }
0x6e: {  	_ =	shalt  }
0x6f: {  	_ =	shalt  }
0x70: {  	_ =	shalt  }
0x71: {  	_ =	shalt  }
0x72: {  	_ =	shalt  }
0x73: {  	_ =	shalt  }
0x74: {  	_ =	shalt  }
0x75: {  	_ =	shalt  }
0x76: {  	_ =	shalt  }
0x77: {  	_ =	shalt  }
0x78: {  	_ =	shalt  }
0x79: {  	_ =	shalt  }
0x7a: {  	_ =	shalt  }
0x7b: {  	_ =	shalt  }
0x7c: {  	_ =	shalt  }
0x7d: {  	_ =	shalt  }
0x7e: {  	_ =	shalt  }
0x7f: {  	_ =	shalt  }
0x80: {  	_ =	shalt  }
0x81: {  	_ =	shalt  }
0x82: {  	_ =	shalt  }
0x83: {  	_ =	shalt  }
0x84: {  	_ =	shalt  }
0x85: {  	_ =	shalt  }
0x86: {  	_ =	shalt  }
0x87: {  	_ =	shalt  }
.Lfunc_end0:
.L_simem_size_0:
called_computation.2_lowered:
.L_overlay_start_0:
0x88: {  	s2 =	sld [smem:$0x3FD9]  }
0x89: {  	s3 =	sld [smem:$0x3FFE];
	_ =	sdelay $0x1  }
0x8a: {  	s1 =	srdreg.scid  }
0x8b: {  	s0 =	sand.u32 $0x1, s1  }
0x8c: {  	s17 =	sshll.u32 s0, $0xA;
	s2 =	sadd.s32 s3, s2  }
0x8d: {  	s2 =	sadd.s32 s2, s17  }
0x8e: {  	[smem:$0x3FBE] =	sst s2  }
0x8f: {  	_ = 	snop  }
0x90: {  	s2 =	sld [smem:$0x3FD0];
	(tm) =	ssettm $0x1  }
0x91: {  	s18 =	sld [smem:$0x3FFB];
	_ =	sdelay $0x3  }
0x92: {  	_ =	strace s18  }
0x93: {  	s3 =	sld [smem:$0x3FFC];
	_ =	sdelay $0x3  }
0x94: {  	_ =	strace s3  }
0x95: {  	s3 =	sld [smem:$0x3FFD];
	_ =	sdelay $0x3  }
0x96: {  	_ =	strace s3  }
0x97: {  	_ =	strace $0x8FFFFFFF  }
0x98: {  	s19 =	sld [smem:$0x3FDB];
	_ =	sdelay $0x1  }
0x99: {  	s4 =	simm.s32 $_scs_section_size  }
0x9a: {  	s5 =	simm.s32 $_size__tile_overlayer_lowered;
	s6 =	simm.s32 $_tile_overlayer_lowered  }
0x9b: {  	s22 =	simm.s32 $0x1BFF;
	s21 =	sshll.u32 s6, $0x1;
	s3 =	sadd.s32 s4, s19  }
0x9c: {  	s7 =	simm.s32 $0x0;
	s20 =	sshll.u32 s5, $0x1;
	s5 =	sadd.s32 s21, s3  }
0x9d: {  	[timem:s7], [sflag:s22] =	dma.local [hbm:s5], s20  }
0x9e: {  	_ =	swait.ge [sflag:s22], s20  }
0x9f: {  	s4 =	ssub.s32 $0x0, s20;
	[sflag:s22] =	ssyncset.done $0x0  }
0xa0: {  	[sflag:s22] =	ssyncadd.s32 s4;
	_ =	sdelay $0x1  }
0xa1: {  	s23 =	simm.s32 $0x1B8B  }
0xa2: {  	_ =	swait.ge [sflag:s23], $0x1  }
0xa3: {  	[sflag:s23] =	ssyncset.done $0x0  }
0xa4: {  	s25 =	simm.s32 $0x1B8E;
	s24 =	sld [smem:$0x3FFE];
	[sflag:s23] =	ssyncadd.s32 $0xFFFFFFFF  }
0xa5: {  	s26 =	simm.s32 $execute0_lowered;
	[smem:$0x3FD2] =	sst s25  }
0xa6: {  	s5 =	sshll.u32 s26, $0x1;
	_ =	strace $0x8000004C;
	[dreg:$0x1] =	wrdreg $0xFFFFFFFF  }
0xa7: {  	s28 =	simm.s32 $_size_execute0_lowered;
	s3 =	sadd.s32 s3, s5;
	[dreg:$0x0] =	wrdreg $0x0  }
0xa8: {  	s5 =	sshll.u32 s28, $0x1;
	[dreg:$0x2] =	wrdreg s3  }
0xa9: {  	[dreg:$0x3] =	wrdreg s5  }
0xaa: {  	[dreg:$0x4] =	wrdreg $0xC0  }
0xab: {  	_ =	task [dreg:s7], $0x5FFFF  }
0xac: {  	[dreg:$0x1] =	wrdreg $0xFFFFFFFF  }
0xad: {  	[dreg:$0x0] =	wrdreg $0x60  }
0xae: {  	[dreg:$0x2] =	wrdreg s24  }
0xaf: {  	[dreg:$0x3] =	wrdreg s2  }
0xb0: {  	[dreg:$0x4] =	wrdreg $0x7A400  }
0xb1: {  	[dreg:$0x5] =	wrdreg $0x9  }
0xb2: {  	_ =	task.clear_ibuf [dreg:s7], $0x6FFFF;
	_ =	strace $0x9000004C  }
0xb3: {  	s29 =	simm.s32 $0x9;
	_ =	strace $0x8000004E  }
0xb4: {  	_ =	swait.ge [sflag:s29], $0x1  }
0xb5: {  	[sflag:s29] =	ssyncadd.s32 $0xFFFFFFFF  }
0xb6: {  	_ =	strace $0x9000004E  }
0xb7: {  	_ =	sfence  }
0xb8: {  	s30 =	sld [smem:$0x0];
	_ =	sdelay $0x2  }
0xb9: {  	s31 =	sshll.u32 s1, $0xD;
	s1 =	sshrl.u32 s1, $0x2  }
0xba: {  	s3 =	sand.u32 $0x4000, s31;
	s1 =	sadd.s32 s1, s30  }
0xbb: {  	s0 =	sor.u32 s3, s0;
	s1 =	sshll.u32 s1, $0x11  }
0xbc: {  	s0 =	sor.u32 s1, s0  }
0xbd: {  	s0 =	sadd.s32 $0x8F2B, s0  }
0xbe: {  	[sflag:s0] =	ssyncadd.remote.s32 $0x1  }
0xbf: {  	_ =	sfence.sel $0xFFFF  }
0xc0: {  	[dreg:$0x0] =	wrdreg $0xFFFFFFFF;
	(pc) =	sbr.abs _section_cstart, $3  }
0xc1: {  	[dreg:$0x1] =	wrdreg $0xFFFFFFFF  }
0xc2: {  	_ =	task.clear_ibuf [dreg:s7], $0x2FFFF;
	_ =	strace $0x9FFFFFFF  }
0xc3: {  	(tm) =	ssettm $0x7FFFFFFF  }
tec
execute0_lowered:
.L_overlay_start_1:
0x0: {  	(tag) =	ssettag $0x1  }
0x1: {  	s1 =	rddreg [dreg:$0x0]  }
0x2: {  	s9 =	rddreg [dreg:$0x1];
	s3 =	srdreg.scid  }
0x3: {  	s0 =	stileid.u32;
	s2 =	rddreg [dreg:$0x2];
	s16 =	simm.s32 $0x6A40  }
0x4: {  	s17 =	simm.s32 $0x4;
	s18 =	simm.s32 $0x3;
	s19 =	simm.s32 $0x64  }
0x5: {  	s20 =	simm.s32 $0x5140;
	s21 =	simm.s32 $0x5DC0;
	s22 =	simm.s32 $0x1  }
0x6: {  	s23 =	simm.s32 $0x2;
	s28 =	simm.s32 $0x5070;
	s29 =	simm.s32 $0x50D8  }
0x7: {  	s30 =	simm.s32 $0x0;
	s4 =	sand.u32 $0x1, s3;
	s10 =	smul.u32 $0x4E00, s0  }
0x8: {  	s5 =	sshll.u32 s0, $0x1;
	s3 =	simm.s32 $0x0;
	s25 =	smul.u32 $0x14000, s0  }
0x9: {  	p0 =	seq.s32 s0, $0xF;
	s5 =	sor.u32 s4, s5;
	[smem:$0x7FF] =	sst s3  }
0xa: {  	s6 =	ssub.s32 $0x2, s4;
	s7 =	smul.u32 $0x4E200, s4;
	s4 =	sadd.s32 $0x1E00, s1  }
0xb: {  	s5 =	smul.u32 $0x514, s5;
	_ =	strace $0x8000004D;
	s8 =	sshrl.u32 s6, $0x1  }
0xc: {  	s11 =	ssub.s32 s6, s8;
	s26 =	sadd.s32 s10, s7;
	s8 =	sshrl.u32 s25, $0x2  }
0xd: {  	s12 =	sshrl.u32 s7, $0x3;
	s25 =	sadd.s32 s10, s2;
	s1 =	sadd.s32 s5, s1  }
0xe: {  	s7 =	sadd.s32 s8, s2;
	s31 =	sadd.s32 s9, s12;
	s10 =	smax.u32 s11, $0x1  }
0xf: {  	s25 =	sshrl.u32 @!p0 s25, $0x3;
	s5 =	sadd.s32 $0xBC00, s1;
	s6 =	sadd.s32 $0x16000, s1  }
0x10: {  	s1 =	sshrl.u32 s26, $0x3;
	s11 =	sadd.s32 $0x1000, s7;
	s12 =	sadd.s32 $0x2000, s7  }
0x11: {  	s13 =	sadd.s32 $0x3000, s7;
	s8 =	sadd.s32 s9, s1;
	s1 =	sadd.s32 $0x49200, s2  }
0x12: {  	v0 =	vimm.f32 $0.0e+00;
	s14 =	sadd.s32 $0x4000, s7;
	s9 =	sadd.s32 $0x9240, s31;
	s24 =	sshrl.u32 @p0 s1, $0x3  }
.LBB2_1:
0x13: {  	[tilespmem:s3], [sflag:$0x3] =	stream.linear.gather [hbm4b:s5+s3], $0x28A0, $0x38;
	[tilespmem:$0xCA40] =	vst v63  }
0x14: {  	s0 =	simm.s32 $0x28A0;
	s31 =	simm.s32 $0x80;
	s1 =	simm.s32 $0x0  }
0x15: {  	[tilespmem:s0], [sflag:$0x3] =	stream.linear.gather [hbm4b:s6+s3], $0x28A0, $0x38;
	[tilespmem:$0xCA40] =	vst v63  }
.LBB2_2:
0x16: {  	p1 =	sne.s32 s31, $0x3F80;
	[tilespmem:s1+$0x6A40] =	vst v0;
	s0 =	smov.u32 s31;
	s31 =	sadd.s32 $0x80, s31  }
.Ltmp0:
0x17: {  	[tilespmem:s1+$0x6A50] =	vst v0;
	(pc) =	sbr.rel @p1 .LBB2_2-.Ltmp0, $2  }
0x18: {  	_ =	sdelay $0x2  }
0x19: {  	s1 =	sshra.s32 s0, $0x2  }
0x1a: {  	[tilespmem:s1+$0x6A40] =	vst v0  }
0x1b: {  	[tilespmem:s1+$0x6A50] =	vst v0  }
0x1c: {  	[spmem:s7] =	stream.linear.scatter [tilespmem:s16], [sflag:$0x4], $0x1000, $0x38;
	[tilespmem:$0xCA40] =	vst v63  }
0x1d: {  	_ =	swait.ge [sflag:s17], $0x1000  }
0x1e: {  	[sflag:s17] =	ssyncset.done $0x0  }
0x1f: {  	[sflag:s17] =	ssyncadd.s32 $0xFFFFF000  }
0x20: {  	[spmem:s11] =	stream.linear.scatter [tilespmem:s16], [sflag:$0x4], $0x1000, $0x38;
	[tilespmem:$0xCA40] =	vst v63  }
0x21: {  	_ =	swait.ge [sflag:s17], $0x1000  }
0x22: {  	[sflag:s17] =	ssyncset.done $0x0  }
0x23: {  	[sflag:s17] =	ssyncadd.s32 $0xFFFFF000  }
0x24: {  	[spmem:s12] =	stream.linear.scatter [tilespmem:s16], [sflag:$0x4], $0x1000, $0x38;
	[tilespmem:$0xCA40] =	vst v63  }
0x25: {  	_ =	swait.ge [sflag:s17], $0x1000  }
0x26: {  	[sflag:s17] =	ssyncset.done $0x0  }
0x27: {  	[sflag:s17] =	ssyncadd.s32 $0xFFFFF000  }
0x28: {  	[spmem:s13] =	stream.linear.scatter [tilespmem:s16], [sflag:$0x4], $0x1000, $0x38;
	[tilespmem:$0xCA40] =	vst v63  }
0x29: {  	_ =	swait.ge [sflag:s17], $0x1000  }
0x2a: {  	[sflag:s17] =	ssyncset.done $0x0  }
0x2b: {  	[sflag:s17] =	ssyncadd.s32 $0xFFFFF000  }
0x2c: {  	[spmem:s14] =	stream.linear.scatter [tilespmem:s16], [sflag:$0x4], $0x1000, $0x38;
	[tilespmem:$0xCA40] =	vst v63  }
0x2d: {  	_ =	swait.ge [sflag:s17], $0x1000  }
0x2e: {  	[sflag:s17] =	ssyncset.done $0x0  }
0x2f: {  	[sflag:s17] =	ssyncadd.s32 $0xFFFFF000  }
0x30: {  	_ =	swait.ge [sflag:s18], $0x28A0  }
0x31: {  	[sflag:s18] =	ssyncset.done $0x0  }
0x32: {  	[sflag:s18] =	ssyncadd.s32 $0xFFFFD760  }
0x33: {  	_ =	swait.ge [sflag:s18], $0x28A0  }
0x34: {  	[sflag:s18] =	ssyncset.done $0x0  }
0x35: {  	[sflag:s18] =	ssyncadd.s32 $0xFFFFD760  }
0x36: {  	s0 =	simm.s32 $0x0;
	[bflag:$0x0] =	sbarrier.arrive $0xFFFF  }
0x37: {  	[tilespmem:s20], [sflag:$0x1] =	stream.indirect.gather [hbm4b:s4+s19], $0x20, s0, s19, $0xb8;
	[tilespmem:$0xCA40] =	vst v63  }
0x38: {  	s26 =	simm.s32 $0x68  }
0x39: {  	[tilespmem:s21], [sflag:$0x2] =	stream.indirect.gather [hbm4b:s4+s19], $0x20, s26, s19, $0xb8;
	[tilespmem:$0xCA40] =	vst v63  }
0x3a: {  	_ =	swait.ge [sflag:s22], $0xC80  }
0x3b: {  	[sflag:s22] =	ssyncset.done $0x0  }
0x3c: {  	s1 =	simm.s32 $0x28A0;
	[sflag:s22] =	ssyncadd.s32 $0xFFFFF380  }
0x3d: {  	[spmem:s2] =	stream.indirect.scatter.add.f32 [tilespmem:s20], [sflag:$0x4], $0x20, s1, s19, $0xb8;
	[tilespmem:$0xCA40] =	vst v63  }
0x3e: {  	_ =	swait.ge [sflag:s17], $0xC80  }
0x3f: {  	[sflag:s17] =	ssyncset.done $0x0  }
0x40: {  	s15 =	simm.s32 $0xD0;
	[sflag:s17] =	ssyncadd.s32 $0xFFFFF380  }
0x41: {  	[tilespmem:s20], [sflag:$0x1] =	stream.indirect.gather [hbm4b:s4+s19], $0x20, s15, s19, $0xb8;
	[tilespmem:$0xCA40] =	vst v63  }
0x42: {  	_ =	swait.ge [sflag:s23], $0xC80  }
0x43: {  	[sflag:s23] =	ssyncset.done $0x0  }
0x44: {  	s26 =	simm.s32 $0x2908;
	[sflag:s23] =	ssyncadd.s32 $0xFFFFF380  }
0x45: {  	[spmem:s2] =	stream.indirect.scatter.add.f32 [tilespmem:s21], [sflag:$0x4], $0x20, s26, s19, $0xb8;
	[tilespmem:$0xCA40] =	vst v63  }
0x46: {  	_ =	swait.ge [sflag:s17], $0xC80  }
0x47: {  	s31 =	simm.s32 $0xD0;
	s1 =	simm.s32 $0x680;
	[sflag:s17] =	ssyncset.done $0x0  }
.LBB2_4:
0x48: {  	s0 =	sadd.s32 $0x68, s31  }
0x49: {  	[sflag:s17] =	ssyncadd.s32 $0xFFFFF380;
	s15 =	smov.u32 s1;
	s26 =	sadd.s32 $0x340, s1  }
0x4a: {  	[tilespmem:s21], [sflag:$0x2] =	stream.indirect.gather [hbm4b:s4+s19], $0x20, s0, s19, $0xb8;
	[tilespmem:$0xCA40] =	vst v63  }
0x4b: {  	p1 =	sne.s32 s1, $0x9C00;
	_ =	swait.ge [sflag:s22], $0xC80  }
0x4c: {  	[sflag:s22] =	ssyncset.done $0x0  }
0x4d: {  	s0 =	sadd.s32 $0x28A0, s31;
	[sflag:s22] =	ssyncadd.s32 $0xFFFFF380  }
0x4e: {  	[spmem:s2] =	stream.indirect.scatter.add.f32 [tilespmem:s20], [sflag:$0x4], $0x20, s0, s19, $0xb8;
	[tilespmem:$0xCA40] =	vst v63  }
0x4f: {  	_ =	swait.ge [sflag:s17], $0xC80  }
0x50: {  	[sflag:s17] =	ssyncset.done $0x0  }
0x51: {  	s0 =	sadd.s32 $0xD0, s31;
	[sflag:s17] =	ssyncadd.s32 $0xFFFFF380  }
0x52: {  	[tilespmem:s20], [sflag:$0x1] =	stream.indirect.gather [hbm4b:s4+s19], $0x20, s0, s19, $0xb8;
	[tilespmem:$0xCA40] =	vst v63  }
0x53: {  	_ =	swait.ge [sflag:s23], $0xC80  }
.Ltmp1:
0x54: {  	[sflag:s23] =	ssyncset.done $0x0;
	(pc) =	sbr.rel @p1 .LBB2_4-.Ltmp1, $4  }
0x55: {  	s0 =	sadd.s32 $0x2908, s31;
	[sflag:s23] =	ssyncadd.s32 $0xFFFFF380  }
0x56: {  	[spmem:s2] =	stream.indirect.scatter.add.f32 [tilespmem:s21], [sflag:$0x4], $0x20, s0, s19, $0xb8;
	[tilespmem:$0xCA40] =	vst v63  }
0x57: {  	_ =	swait.ge [sflag:s17], $0xC80  }
0x58: {  	s1 =	smov.u32 s26;
	s31 =	sshra.s32 s15, $0x2;
	[sflag:s17] =	ssyncset.done $0x0  }
0x59: {  	s0 =	sadd.s32 $0x68, s31;
	[sflag:s17] =	ssyncadd.s32 $0xFFFFF380  }
0x5a: {  	[tilespmem:s21], [sflag:$0x2] =	stream.indirect.gather [hbm4b:s4+s19], $0x20, s0, s19, $0xb8;
	[tilespmem:$0xCA40] =	vst v63  }
0x5b: {  	_ =	swait.ge [sflag:s22], $0xC80  }
0x5c: {  	[sflag:s22] =	ssyncset.done $0x0  }
0x5d: {  	s1 =	sadd.s32 $0x28A0, s31;
	[sflag:s22] =	ssyncadd.s32 $0xFFFFF380  }
0x5e: {  	[spmem:s2] =	stream.indirect.scatter.add.f32 [tilespmem:s20], [sflag:$0x4], $0x20, s1, s19, $0xb8;
	[tilespmem:$0xCA40] =	vst v63  }
0x5f: {  	_ =	swait.ge [sflag:s17], $0xC80  }
0x60: {  	[sflag:s17] =	ssyncset.done $0x0  }
0x61: {  	s15 =	sadd.s32 $0xD0, s31;
	[sflag:s17] =	ssyncadd.s32 $0xFFFFF380  }
0x62: {  	[tilespmem:s20], [sflag:$0x1] =	stream.indirect.gather [hbm4b:s4+s19], $0x20, s15, s19, $0xb8;
	[tilespmem:$0xCA40] =	vst v63  }
0x63: {  	_ =	swait.ge [sflag:s23], $0xC80  }
0x64: {  	[sflag:s23] =	ssyncset.done $0x0  }
0x65: {  	s26 =	sadd.s32 $0x2908, s31;
	[sflag:s23] =	ssyncadd.s32 $0xFFFFF380  }
0x66: {  	[spmem:s2] =	stream.indirect.scatter.add.f32 [tilespmem:s21], [sflag:$0x4], $0x20, s26, s19, $0xb8;
	[tilespmem:$0xCA40] =	vst v63  }
0x67: {  	_ =	swait.ge [sflag:s17], $0xC80  }
0x68: {  	[sflag:s17] =	ssyncset.done $0x0  }
0x69: {  	s31 =	simm.s32 $0x2838;
	[sflag:s17] =	ssyncadd.s32 $0xFFFFF380  }
0x6a: {  	[tilespmem:s21], [sflag:$0x2] =	stream.indirect.gather [hbm4b:s4+s19], $0x20, s31, s19, $0xb8;
	[tilespmem:$0xCA40] =	vst v63  }
0x6b: {  	_ =	swait.ge [sflag:s22], $0xC80  }
0x6c: {  	[sflag:s22] =	ssyncset.done $0x0  }
0x6d: {  	[sflag:s22] =	ssyncadd.s32 $0xFFFFF380  }
0x6e: {  	[spmem:s2] =	stream.indirect.scatter.add.f32 [tilespmem:s20], [sflag:$0x4], $0x20, s28, s19, $0xb8;
	[tilespmem:$0xCA40] =	vst v63  }
0x6f: {  	_ =	swait.ge [sflag:s17], $0xC80  }
0x70: {  	[sflag:s17] =	ssyncset.done $0x0  }
0x71: {  	[sflag:s17] =	ssyncadd.s32 $0xFFFFF380  }
0x72: {  	_ =	swait.ge [sflag:s23], $0xC80  }
0x73: {  	[sflag:s23] =	ssyncset.done $0x0  }
0x74: {  	[sflag:s23] =	ssyncadd.s32 $0xFFFFF380  }
0x75: {  	[spmem:s2] =	stream.indirect.scatter.add.f32 [tilespmem:s21], [sflag:$0x4], $0x20, s29, s19, $0xb8;
	[tilespmem:$0xCA40] =	vst v63  }
0x76: {  	_ =	swait.ge [sflag:s17], $0xC80  }
0x77: {  	[sflag:s17] =	ssyncset.done $0x0  }
0x78: {  	[sflag:s17] =	ssyncadd.s32 $0xFFFFF380  }
0x79: {  	s0 =	simm.s32 @p0 $0x1FC1;
	[bflag:$0x0] =	sbarrier.arrive $0xFFFF  }
0x7a: {  	[hbm:s9], [sflag:s0] =	dma.local @p0 [spmem:s24], $0xA00  }
0x7b: {  	s0 =	simm.s32 @p0 $0x1  }
0x7c: {  	s1 =	stileid.u32;
	_ =	swait.ge @p0 [sflag:s0], $0xA00  }
0x7d: {  	s30 =	sadd.s32 $0x1, s30;
	s1 =	sshll.u32 @!p0 s1, $0x6;
	[sflag:s0] =	ssyncset.done @p0 $0x0  }
0x7e: {  	p1 =	sne.s32 s30, s10;
	[sflag:s0] =	ssyncadd.s32 @p0 $0xFFFFF600;
	s0 =	sor.u32 @!p0 $0x1C01, s1  }
0x7f: {  	[hbm:s8], [sflag:s0] =	dma.local @!p0 [spmem:s25], $0x9C0  }
.Ltmp2:
0x80: {  	_ = 	snop;
	(pc) =	sbr.rel @p1 .LBB2_1-.Ltmp2, $4  }
0x81: {  	s0 =	simm.s32 @!p0 $0x1  }
0x82: {  	_ =	swait.ge @!p0 [sflag:s0], $0x9C0  }
0x83: {  	[sflag:s0] =	ssyncset.done @!p0 $0x0  }
0x84: {  	[sflag:s0] =	ssyncadd.s32 @!p0 $0xFFFFF640  }
0x85: {  	_ =	sfence.sel $0x180000  }
0x86: {  	[bflag:$0x0] =	sbarrier.arrive $0xFFFF  }
0x87: {  	_ =	strace $0x9000004D  }
0x88: {  	s0 =	stileid.u32;
	[bflag:$0x2] =	sbarrier.arrive $0xFFFF  }
0x89: {  	p0 =	sne.s32 s0, $0x0;
	s0 =	rddreg [dreg:$0x3]  }
0x8a: {  	s0 =	sadd.s32 @!p0 $0x100000, s0  }
0x8b: {  	[sflag:s0] =	ssyncadd.tile.s32 @!p0 $0x1;
	_ =	shalt  }
.Lfunc_end2:
_tile_overlayer_lowered:
.L_overlay_start_2:
0x8c: {  	(tag) =	ssettag $0x2  }
0x8d: {  	s0 =	rddreg [dreg:$0x0];
	s2 =	stileid.u32  }
0x8e: {  	s1 =	rddreg [dreg:$0x1];
	p0 =	sne.s32 s2, $0x0  }
0x8f: {  	s3 =	rddreg [dreg:$0x2];
	[bflag:$0x3] =	sbarrier.arrive $0xFFFF;
	s2 =	simm.s32 @!p0 $0x1C04  }
0x90: {  	[timem:s3], [sflag:s2] =	dma.local @!p0 [hbm:s0], s1  }
0x91: {  	s0 =	simm.s32 @!p0 $0x4  }
0x92: {  	_ =	swait.ge @!p0 [sflag:s0], s1  }
0x93: {  	s1 =	ssub.s32 @!p0 $0x0, s1;
	[sflag:s0] =	ssyncset.done @!p0 $0x0  }
0x94: {  	[sflag:s0] =	ssyncadd.s32 @!p0 s1  }
0x95: {  	[bflag:$0x3] =	sbarrier.arrive $0xFFFF  }
0x96: {  	_ =	shalt  }

</sc_bundles>
